<compile_context>
chip_gen: v7x
topology: tpu7x:2x2x1
jax: 0.10.2.dev20260603
libtpu: 0.0.44.dev20260713+nightly
codegen_flags: <defaults>
</compile_context>

<pallas_src>
import functools

import jax
import jax.numpy as jnp
from jax import lax
from jax.experimental import pallas as pl
from jax.experimental.pallas import tpu as pltpu
from jax.experimental.pallas import tpu_sc as plsc

_VOCAB = 1000000
_D = 32
_B = 4096
_L = 200
_N = _B * _L
_NW = 32
_PER_W = _N // _NW
_CHUNK = 1600
_NCHUNK = _PER_W // _CHUNK

_mesh = plsc.VectorSubcoreMesh(core_axis_name="c", subcore_axis_name="s")



_WBLK = 16384


def _wt_body(wt_ref, out_ref):
    x = wt_ref[...]
    xt = jnp.swapaxes(x, 0, 1)
    y = xt.reshape(_WBLK // 32, 8, 4, _D)
    out_ref[...] = jnp.concatenate([y[:, :, e, :] for e in range(4)],
                                   axis=-1)


_wt_transpose = pl.pallas_call(
    _wt_body,
    grid=(pl.cdiv(_VOCAB, _WBLK),),
    in_specs=[pl.BlockSpec((_D, _WBLK), lambda g: (0, g))],
    out_specs=pl.BlockSpec((_WBLK // 32, 8, 128), lambda g: (g, 0, 0)),
    out_shape=jax.ShapeDtypeStruct((_VOCAB * _D // 1024, 8, 128),
                                   jnp.float32),
)



@functools.partial(
    pl.kernel,
    out_type=jax.ShapeDtypeStruct((_N, _D), jnp.float32),
    mesh=_mesh,
    scratch_types=[
        pltpu.VMEM((_CHUNK,), jnp.int32),
        pltpu.VMEM((_CHUNK,), jnp.int32),
        pltpu.VMEM((_CHUNK, _D), jnp.float32),
        pltpu.VMEM((_CHUNK, _D), jnp.float32),
        pltpu.SemaphoreType.DMA,
        pltpu.SemaphoreType.DMA,
        pltpu.SemaphoreType.DMA,
        pltpu.SemaphoreType.DMA,
        pltpu.SemaphoreType.DMA,
        pltpu.SemaphoreType.DMA,
    ],
    compiler_params=pltpu.CompilerParams(use_tc_tiling_on_sc=False),
)
def _emb_lookup(idx_hbm, table_hbm, out_hbm,
                idx0, idx1, rows0, rows1,
                si0, si1, sg0, sg1, so0, so1):
    wid = lax.axis_index("s") * 2 + lax.axis_index("c")
    base = wid * _PER_W

    idx_bufs = (idx0, idx1)
    row_bufs = (rows0, rows1)
    isems = (si0, si1)
    gsems = (sg0, sg1)
    osems = (so0, so1)

    def idx_copy(i):
        b = i % 2
        return pltpu.make_async_copy(
            idx_hbm.at[pl.ds(base + i * _CHUNK, _CHUNK)], idx_bufs[b], isems[b])

    def gather_copy(i):
        b = i % 2
        return pltpu.make_async_copy(table_hbm.at[idx_bufs[b]], row_bufs[b],
                                     gsems[b])

    def out_copy(i):
        b = i % 2
        return pltpu.make_async_copy(
            row_bufs[b], out_hbm.at[pl.ds(base + i * _CHUNK, _CHUNK)], osems[b])

    idx_copy(0).start()
    idx_copy(1).start()
    for i in range(_NCHUNK):
        idx_copy(i).wait()
        if i >= 2:
            out_copy(i - 2).wait()
        gather_copy(i).start()
        gather_copy(i).wait()
        if i + 2 < _NCHUNK:
            idx_copy(i + 2).start()
        out_copy(i).start()
    out_copy(_NCHUNK - 2).wait()
    out_copy(_NCHUNK - 1).wait()


def kernel(input_ids, weight):
    flat = input_ids.reshape(-1).astype(jnp.int32)
    table = _wt_transpose(weight.T).reshape(_VOCAB, _D)
    rows = _emb_lookup(flat, table)
    return rows.reshape(input_ids.shape + (weight.shape[1],))

# --- scband reference (transcript-rebuilt; emitter-appended) ---
"""Pipeline reference for scband-key-mat-embedding-wrapper-12816182411375 (READ-ONLY COPY).

The authoritative reference and input builder live on the scoring server;
editing this copy changes nothing except your own understanding.
"""

import jax, jax.numpy as jnp
import numpy as np

VOCAB = 1000000
EMBED_DIM = 32
B = 4096
L = 200

def setup_inputs(seed: int = 0) -> dict:
    key = jax.random.key(seed)
    k_idx, k_w = jax.random.split(key)
    input_ids = jax.random.randint(k_idx, (B, L), 0, VOCAB, dtype=jnp.int64 if jax.config.jax_enable_x64 else jnp.int32)
    weight = jax.random.normal(k_w, (VOCAB, EMBED_DIM), dtype=jnp.float32)
    return {"input_ids": input_ids, "weight": weight}

def reference(input_ids, weight):
    # Faithful translation of F.embedding(input_ids, weight):
    # gather rows of the obfuscated embedding table by token id.
    output = jnp.take(weight, input_ids, axis=0)
    return output

if __name__ == "__main__":
    import jax
    _d = setup_inputs()
    print(jax.jit(kernel)(*tuple(_d.values())))

</pallas_src>

<mosaic_0001>
#map = affine_map<(d0, d1) -> (0)>
#map1 = affine_map<(d0, d1) -> (0, 0)>
module attributes {stable_mosaic.version = 14 : i64} {
  func.func @_emb_lookup(%arg0: i32, %arg1: i32, %arg2: memref<819200xi32, #tpu.memory_space<hbm>>, %arg3: memref<1000000x32xf32, #tpu.memory_space<hbm>>, %arg4: memref<819200x32xf32, #tpu.memory_space<hbm>>, %arg5: memref<1600xi32, #tpu.memory_space<vmem>>, %arg6: memref<1600xi32, #tpu.memory_space<vmem>>, %arg7: memref<1600x32xf32, #tpu.memory_space<vmem>>, %arg8: memref<1600x32xf32, #tpu.memory_space<vmem>>, %arg9: memref<!tpu.dma_semaphore, #tpu.memory_space<semaphore_mem>>, %arg10: memref<!tpu.dma_semaphore, #tpu.memory_space<semaphore_mem>>, %arg11: memref<!tpu.dma_semaphore, #tpu.memory_space<semaphore_mem>>, %arg12: memref<!tpu.dma_semaphore, #tpu.memory_space<semaphore_mem>>, %arg13: memref<!tpu.dma_semaphore, #tpu.memory_space<semaphore_mem>>, %arg14: memref<!tpu.dma_semaphore, #tpu.memory_space<semaphore_mem>>) attributes {dimension_semantics = [#tpu.dimension_semantics<core_parallel>, #tpu.dimension_semantics<subcore_parallel>], iteration_bounds = array<i64: 2, 16>, scalar_prefetch = 0 : i64, scratch_operands = 10 : i64, tpu.core_type = #tpu.core_type<sc_vector_subcore>, window_params = [{transform_indices = #map}, {transform_indices = #map1}, {transform_indices = #map1}]} {
    %mul3A = arith.constant 2 : i32
    %mul3A_0 = arith.muli %arg1, %mul3A : i32
    %add3A = arith.addi %mul3A_0, %arg0 : i32
    %mul3A_1 = arith.constant 25600 : i32
    %mul3A_2 = arith.muli %add3A, %mul3A_1 : i32
    %add3A_3 = arith.constant 0 : i32
    %add3A_4 = arith.addi %mul3A_2, %add3A_3 : i32
    %dma_start3A = tpu.memref_slice %arg2[%add3A_4] : memref<819200xi32, #tpu.memory_space<hbm>> -> memref<1600xi32, #tpu.memory_space<hbm>>
    %dma_start3A_5 = tpu.memref_slice %arg2[%add3A_4] : memref<819200xi32, #tpu.memory_space<hbm>> -> memref<1600xi32, #tpu.memory_space<hbm>>
    tpu.enqueue_dma source(%dma_start3A_5 : memref<1600xi32, #tpu.memory_space<hbm>>) target(%arg5 : memref<1600xi32, #tpu.memory_space<vmem>>) target_semaphore(%arg9 : memref<!tpu.dma_semaphore, #tpu.memory_space<semaphore_mem>>)
    %add3A_6 = arith.constant 1600 : i32
    %add3A_7 = arith.addi %mul3A_2, %add3A_6 : i32
    %dma_start3A_8 = tpu.memref_slice %arg2[%add3A_7] : memref<819200xi32, #tpu.memory_space<hbm>> -> memref<1600xi32, #tpu.memory_space<hbm>>
    %dma_start3A_9 = tpu.memref_slice %arg2[%add3A_7] : memref<819200xi32, #tpu.memory_space<hbm>> -> memref<1600xi32, #tpu.memory_space<hbm>>
    tpu.enqueue_dma source(%dma_start3A_9 : memref<1600xi32, #tpu.memory_space<hbm>>) target(%arg6 : memref<1600xi32, #tpu.memory_space<vmem>>) target_semaphore(%arg10 : memref<!tpu.dma_semaphore, #tpu.memory_space<semaphore_mem>>)
    %add3A_10 = arith.constant 0 : i32
    %add3A_11 = arith.addi %mul3A_2, %add3A_10 : i32
    %dma_wait3A = tpu.memref_slice %arg2[%add3A_11] : memref<819200xi32, #tpu.memory_space<hbm>> -> memref<1600xi32, #tpu.memory_space<hbm>>
    %dma_wait3A_12 = tpu.memref_slice %arg2[%add3A_11] : memref<819200xi32, #tpu.memory_space<hbm>> -> memref<1600xi32, #tpu.memory_space<hbm>>
    tpu.wait_dma2 semaphore(%arg9 : memref<!tpu.dma_semaphore, #tpu.memory_space<semaphore_mem>>) src(%dma_wait3A_12 : memref<1600xi32, #tpu.memory_space<hbm>>) dst(%arg5 : memref<1600xi32, #tpu.memory_space<vmem>>)
    %dma_start3A_13 = arith.constant 0 : i32
    %dma_start3A_14 = arith.constant 0 : i32
    %dma_start3A_15 = tpu.memref_slice %arg3[%dma_start3A_13, %dma_start3A_14] : memref<1000000x32xf32, #tpu.memory_space<hbm>> -> memref<1000000x32xf32, #tpu.memory_space<hbm>>
    tpu.enqueue_indirect_dma source(%dma_start3A_15 : memref<1000000x32xf32, #tpu.memory_space<hbm>>) target(%arg7 : memref<1600x32xf32, #tpu.memory_space<vmem>>) offsets(%arg5 : memref<1600xi32, #tpu.memory_space<vmem>>) semaphore(%arg11 : memref<!tpu.dma_semaphore, #tpu.memory_space<semaphore_mem>>)
    %dma_wait3A_16 = arith.constant 0 : i32
    %dma_wait3A_17 = arith.constant 0 : i32
    %dma_wait3A_18 = tpu.memref_slice %arg3[%dma_wait3A_16, %dma_wait3A_17] : memref<1000000x32xf32, #tpu.memory_space<hbm>> -> memref<1000000x32xf32, #tpu.memory_space<hbm>>
    tpu.wait_indirect_dma semaphore(%arg11 : memref<!tpu.dma_semaphore, #tpu.memory_space<semaphore_mem>>) src(%dma_wait3A_18 : memref<1000000x32xf32, #tpu.memory_space<hbm>>) dst(%arg7 : memref<1600x32xf32, #tpu.memory_space<vmem>>)
    %add3A_19 = arith.constant 3200 : i32
    %add3A_20 = arith.addi %mul3A_2, %add3A_19 : i32
    %dma_start3A_21 = tpu.memref_slice %arg2[%add3A_20] : memref<819200xi32, #tpu.memory_space<hbm>> -> memref<1600xi32, #tpu.memory_space<hbm>>
    %dma_start3A_22 = tpu.memref_slice %arg2[%add3A_20] : memref<819200xi32, #tpu.memory_space<hbm>> -> memref<1600xi32, #tpu.memory_space<hbm>>
    tpu.enqueue_dma source(%dma_start3A_22 : memref<1600xi32, #tpu.memory_space<hbm>>) target(%arg5 : memref<1600xi32, #tpu.memory_space<vmem>>) target_semaphore(%arg9 : memref<!tpu.dma_semaphore, #tpu.memory_space<semaphore_mem>>)
    %add3A_23 = arith.constant 0 : i32
    %add3A_24 = arith.addi %mul3A_2, %add3A_23 : i32
    %dma_start3A_25 = arith.constant 0 : i32
    %dma_start3A_26 = tpu.memref_slice %arg4[%add3A_24, %dma_start3A_25] : memref<819200x32xf32, #tpu.memory_space<hbm>> -> memref<1600x32xf32, #tpu.memory_space<hbm>>
    %dma_start3A_27 = arith.constant 0 : i32
    %dma_start3A_28 = tpu.memref_slice %arg4[%add3A_24, %dma_start3A_27] : memref<819200x32xf32, #tpu.memory_space<hbm>> -> memref<1600x32xf32, #tpu.memory_space<hbm>>
    tpu.enqueue_dma source(%arg7 : memref<1600x32xf32, #tpu.memory_space<vmem>>) target(%dma_start3A_28 : memref<1600x32xf32, #tpu.memory_space<hbm>>) target_semaphore(%arg13 : memref<!tpu.dma_semaphore, #tpu.memory_space<semaphore_mem>>)
    %add3A_29 = arith.constant 1600 : i32
    %add3A_30 = arith.addi %mul3A_2, %add3A_29 : i32
    %dma_wait3A_31 = tpu.memref_slice %arg2[%add3A_30] : memref<819200xi32, #tpu.memory_space<hbm>> -> memref<1600xi32, #tpu.memory_space<hbm>>
    %dma_wait3A_32 = tpu.memref_slice %arg2[%add3A_30] : memref<819200xi32, #tpu.memory_space<hbm>> -> memref<1600xi32, #tpu.memory_space<hbm>>
    tpu.wait_dma2 semaphore(%arg10 : memref<!tpu.dma_semaphore, #tpu.memory_space<semaphore_mem>>) src(%dma_wait3A_32 : memref<1600xi32, #tpu.memory_space<hbm>>) dst(%arg6 : memref<1600xi32, #tpu.memory_space<vmem>>)
    %dma_start3A_33 = arith.constant 0 : i32
    %dma_start3A_34 = arith.constant 0 : i32
    %dma_start3A_35 = tpu.memref_slice %arg3[%dma_start3A_33, %dma_start3A_34] : memref<1000000x32xf32, #tpu.memory_space<hbm>> -> memref<1000000x32xf32, #tpu.memory_space<hbm>>
    tpu.enqueue_indirect_dma source(%dma_start3A_35 : memref<1000000x32xf32, #tpu.memory_space<hbm>>) target(%arg8 : memref<1600x32xf32, #tpu.memory_space<vmem>>) offsets(%arg6 : memref<1600xi32, #tpu.memory_space<vmem>>) semaphore(%arg12 : memref<!tpu.dma_semaphore, #tpu.memory_space<semaphore_mem>>)
    %dma_wait3A_36 = arith.constant 0 : i32
    %dma_wait3A_37 = arith.constant 0 : i32
    %dma_wait3A_38 = tpu.memref_slice %arg3[%dma_wait3A_36, %dma_wait3A_37] : memref<1000000x32xf32, #tpu.memory_space<hbm>> -> memref<1000000x32xf32, #tpu.memory_space<hbm>>
    tpu.wait_indirect_dma semaphore(%arg12 : memref<!tpu.dma_semaphore, #tpu.memory_space<semaphore_mem>>) src(%dma_wait3A_38 : memref<1000000x32xf32, #tpu.memory_space<hbm>>) dst(%arg8 : memref<1600x32xf32, #tpu.memory_space<vmem>>)
    %add3A_39 = arith.constant 4800 : i32
    %add3A_40 = arith.addi %mul3A_2, %add3A_39 : i32
    %dma_start3A_41 = tpu.memref_slice %arg2[%add3A_40] : memref<819200xi32, #tpu.memory_space<hbm>> -> memref<1600xi32, #tpu.memory_space<hbm>>
    %dma_start3A_42 = tpu.memref_slice %arg2[%add3A_40] : memref<819200xi32, #tpu.memory_space<hbm>> -> memref<1600xi32, #tpu.memory_space<hbm>>
    tpu.enqueue_dma source(%dma_start3A_42 : memref<1600xi32, #tpu.memory_space<hbm>>) target(%arg6 : memref<1600xi32, #tpu.memory_space<vmem>>) target_semaphore(%arg10 : memref<!tpu.dma_semaphore, #tpu.memory_space<semaphore_mem>>)
    %add3A_43 = arith.constant 1600 : i32
    %add3A_44 = arith.addi %mul3A_2, %add3A_43 : i32
    %dma_start3A_45 = arith.constant 0 : i32
    %dma_start3A_46 = tpu.memref_slice %arg4[%add3A_44, %dma_start3A_45] : memref<819200x32xf32, #tpu.memory_space<hbm>> -> memref<1600x32xf32, #tpu.memory_space<hbm>>
    %dma_start3A_47 = arith.constant 0 : i32
    %dma_start3A_48 = tpu.memref_slice %arg4[%add3A_44, %dma_start3A_47] : memref<819200x32xf32, #tpu.memory_space<hbm>> -> memref<1600x32xf32, #tpu.memory_space<hbm>>
    tpu.enqueue_dma source(%arg8 : memref<1600x32xf32, #tpu.memory_space<vmem>>) target(%dma_start3A_48 : memref<1600x32xf32, #tpu.memory_space<hbm>>) target_semaphore(%arg14 : memref<!tpu.dma_semaphore, #tpu.memory_space<semaphore_mem>>)
    %add3A_49 = arith.constant 3200 : i32
    %add3A_50 = arith.addi %mul3A_2, %add3A_49 : i32
    %dma_wait3A_51 = tpu.memref_slice %arg2[%add3A_50] : memref<819200xi32, #tpu.memory_space<hbm>> -> memref<1600xi32, #tpu.memory_space<hbm>>
    %dma_wait3A_52 = tpu.memref_slice %arg2[%add3A_50] : memref<819200xi32, #tpu.memory_space<hbm>> -> memref<1600xi32, #tpu.memory_space<hbm>>
    tpu.wait_dma2 semaphore(%arg9 : memref<!tpu.dma_semaphore, #tpu.memory_space<semaphore_mem>>) src(%dma_wait3A_52 : memref<1600xi32, #tpu.memory_space<hbm>>) dst(%arg5 : memref<1600xi32, #tpu.memory_space<vmem>>)
    %add3A_53 = arith.constant 0 : i32
    %add3A_54 = arith.addi %mul3A_2, %add3A_53 : i32
    %dma_wait3A_55 = arith.constant 0 : i32
    %dma_wait3A_56 = tpu.memref_slice %arg4[%add3A_54, %dma_wait3A_55] : memref<819200x32xf32, #tpu.memory_space<hbm>> -> memref<1600x32xf32, #tpu.memory_space<hbm>>
    %dma_wait3A_57 = arith.constant 0 : i32
    %dma_wait3A_58 = tpu.memref_slice %arg4[%add3A_54, %dma_wait3A_57] : memref<819200x32xf32, #tpu.memory_space<hbm>> -> memref<1600x32xf32, #tpu.memory_space<hbm>>
    tpu.wait_dma2 semaphore(%arg13 : memref<!tpu.dma_semaphore, #tpu.memory_space<semaphore_mem>>) src(%arg7 : memref<1600x32xf32, #tpu.memory_space<vmem>>) dst(%dma_wait3A_58 : memref<1600x32xf32, #tpu.memory_space<hbm>>)
    %dma_start3A_59 = arith.constant 0 : i32
    %dma_start3A_60 = arith.constant 0 : i32
    %dma_start3A_61 = tpu.memref_slice %arg3[%dma_start3A_59, %dma_start3A_60] : memref<1000000x32xf32, #tpu.memory_space<hbm>> -> memref<1000000x32xf32, #tpu.memory_space<hbm>>
    tpu.enqueue_indirect_dma source(%dma_start3A_61 : memref<1000000x32xf32, #tpu.memory_space<hbm>>) target(%arg7 : memref<1600x32xf32, #tpu.memory_space<vmem>>) offsets(%arg5 : memref<1600xi32, #tpu.memory_space<vmem>>) semaphore(%arg11 : memref<!tpu.dma_semaphore, #tpu.memory_space<semaphore_mem>>)
    %dma_wait3A_62 = arith.constant 0 : i32
    %dma_wait3A_63 = arith.constant 0 : i32
    %dma_wait3A_64 = tpu.memref_slice %arg3[%dma_wait3A_62, %dma_wait3A_63] : memref<1000000x32xf32, #tpu.memory_space<hbm>> -> memref<1000000x32xf32, #tpu.memory_space<hbm>>
    tpu.wait_indirect_dma semaphore(%arg11 : memref<!tpu.dma_semaphore, #tpu.memory_space<semaphore_mem>>) src(%dma_wait3A_64 : memref<1000000x32xf32, #tpu.memory_space<hbm>>) dst(%arg7 : memref<1600x32xf32, #tpu.memory_space<vmem>>)
    %add3A_65 = arith.constant 6400 : i32
    %add3A_66 = arith.addi %mul3A_2, %add3A_65 : i32
    %dma_start3A_67 = tpu.memref_slice %arg2[%add3A_66] : memref<819200xi32, #tpu.memory_space<hbm>> -> memref<1600xi32, #tpu.memory_space<hbm>>
    %dma_start3A_68 = tpu.memref_slice %arg2[%add3A_66] : memref<819200xi32, #tpu.memory_space<hbm>> -> memref<1600xi32, #tpu.memory_space<hbm>>
    tpu.enqueue_dma source(%dma_start3A_68 : memref<1600xi32, #tpu.memory_space<hbm>>) target(%arg5 : memref<1600xi32, #tpu.memory_space<vmem>>) target_semaphore(%arg9 : memref<!tpu.dma_semaphore, #tpu.memory_space<semaphore_mem>>)
    %add3A_69 = arith.constant 3200 : i32
    %add3A_70 = arith.addi %mul3A_2, %add3A_69 : i32
    %dma_start3A_71 = arith.constant 0 : i32
    %dma_start3A_72 = tpu.memref_slice %arg4[%add3A_70, %dma_start3A_71] : memref<819200x32xf32, #tpu.memory_space<hbm>> -> memref<1600x32xf32, #tpu.memory_space<hbm>>
    %dma_start3A_73 = arith.constant 0 : i32
    %dma_start3A_74 = tpu.memref_slice %arg4[%add3A_70, %dma_start3A_73] : memref<819200x32xf32, #tpu.memory_space<hbm>> -> memref<1600x32xf32, #tpu.memory_space<hbm>>
    tpu.enqueue_dma source(%arg7 : memref<1600x32xf32, #tpu.memory_space<vmem>>) target(%dma_start3A_74 : memref<1600x32xf32, #tpu.memory_space<hbm>>) target_semaphore(%arg13 : memref<!tpu.dma_semaphore, #tpu.memory_space<semaphore_mem>>)
    %add3A_75 = arith.constant 4800 : i32
    %add3A_76 = arith.addi %mul3A_2, %add3A_75 : i32
    %dma_wait3A_77 = tpu.memref_slice %arg2[%add3A_76] : memref<819200xi32, #tpu.memory_space<hbm>> -> memref<1600xi32, #tpu.memory_space<hbm>>
    %dma_wait3A_78 = tpu.memref_slice %arg2[%add3A_76] : memref<819200xi32, #tpu.memory_space<hbm>> -> memref<1600xi32, #tpu.memory_space<hbm>>
    tpu.wait_dma2 semaphore(%arg10 : memref<!tpu.dma_semaphore, #tpu.memory_space<semaphore_mem>>) src(%dma_wait3A_78 : memref<1600xi32, #tpu.memory_space<hbm>>) dst(%arg6 : memref<1600xi32, #tpu.memory_space<vmem>>)
    %add3A_79 = arith.constant 1600 : i32
    %add3A_80 = arith.addi %mul3A_2, %add3A_79 : i32
    %dma_wait3A_81 = arith.constant 0 : i32
    %dma_wait3A_82 = tpu.memref_slice %arg4[%add3A_80, %dma_wait3A_81] : memref<819200x32xf32, #tpu.memory_space<hbm>> -> memref<1600x32xf32, #tpu.memory_space<hbm>>
    %dma_wait3A_83 = arith.constant 0 : i32
    %dma_wait3A_84 = tpu.memref_slice %arg4[%add3A_80, %dma_wait3A_83] : memref<819200x32xf32, #tpu.memory_space<hbm>> -> memref<1600x32xf32, #tpu.memory_space<hbm>>
    tpu.wait_dma2 semaphore(%arg14 : memref<!tpu.dma_semaphore, #tpu.memory_space<semaphore_mem>>) src(%arg8 : memref<1600x32xf32, #tpu.memory_space<vmem>>) dst(%dma_wait3A_84 : memref<1600x32xf32, #tpu.memory_space<hbm>>)
    %dma_start3A_85 = arith.constant 0 : i32
    %dma_start3A_86 = arith.constant 0 : i32
    %dma_start3A_87 = tpu.memref_slice %arg3[%dma_start3A_85, %dma_start3A_86] : memref<1000000x32xf32, #tpu.memory_space<hbm>> -> memref<1000000x32xf32, #tpu.memory_space<hbm>>
    tpu.enqueue_indirect_dma source(%dma_start3A_87 : memref<1000000x32xf32, #tpu.memory_space<hbm>>) target(%arg8 : memref<1600x32xf32, #tpu.memory_space<vmem>>) offsets(%arg6 : memref<1600xi32, #tpu.memory_space<vmem>>) semaphore(%arg12 : memref<!tpu.dma_semaphore, #tpu.memory_space<semaphore_mem>>)
    %dma_wait3A_88 = arith.constant 0 : i32
    %dma_wait3A_89 = arith.constant 0 : i32
    %dma_wait3A_90 = tpu.memref_slice %arg3[%dma_wait3A_88, %dma_wait3A_89] : memref<1000000x32xf32, #tpu.memory_space<hbm>> -> memref<1000000x32xf32, #tpu.memory_space<hbm>>
    tpu.wait_indirect_dma semaphore(%arg12 : memref<!tpu.dma_semaphore, #tpu.memory_space<semaphore_mem>>) src(%dma_wait3A_90 : memref<1000000x32xf32, #tpu.memory_space<hbm>>) dst(%arg8 : memref<1600x32xf32, #tpu.memory_space<vmem>>)
    %add3A_91 = arith.constant 8000 : i32
    %add3A_92 = arith.addi %mul3A_2, %add3A_91 : i32
    %dma_start3A_93 = tpu.memref_slice %arg2[%add3A_92] : memref<819200xi32, #tpu.memory_space<hbm>> -> memref<1600xi32, #tpu.memory_space<hbm>>
    %dma_start3A_94 = tpu.memref_slice %arg2[%add3A_92] : memref<819200xi32, #tpu.memory_space<hbm>> -> memref<1600xi32, #tpu.memory_space<hbm>>
    tpu.enqueue_dma source(%dma_start3A_94 : memref<1600xi32, #tpu.memory_space<hbm>>) target(%arg6 : memref<1600xi32, #tpu.memory_space<vmem>>) target_semaphore(%arg10 : memref<!tpu.dma_semaphore, #tpu.memory_space<semaphore_mem>>)
    %add3A_95 = arith.constant 4800 : i32
    %add3A_96 = arith.addi %mul3A_2, %add3A_95 : i32
    %dma_start3A_97 = arith.constant 0 : i32
    %dma_start3A_98 = tpu.memref_slice %arg4[%add3A_96, %dma_start3A_97] : memref<819200x32xf32, #tpu.memory_space<hbm>> -> memref<1600x32xf32, #tpu.memory_space<hbm>>
    %dma_start3A_99 = arith.constant 0 : i32
    %dma_start3A_100 = tpu.memref_slice %arg4[%add3A_96, %dma_start3A_99] : memref<819200x32xf32, #tpu.memory_space<hbm>> -> memref<1600x32xf32, #tpu.memory_space<hbm>>
    tpu.enqueue_dma source(%arg8 : memref<1600x32xf32, #tpu.memory_space<vmem>>) target(%dma_start3A_100 : memref<1600x32xf32, #tpu.memory_space<hbm>>) target_semaphore(%arg14 : memref<!tpu.dma_semaphore, #tpu.memory_space<semaphore_mem>>)
    %add3A_101 = arith.constant 6400 : i32
    %add3A_102 = arith.addi %mul3A_2, %add3A_101 : i32
    %dma_wait3A_103 = tpu.memref_slice %arg2[%add3A_102] : memref<819200xi32, #tpu.memory_space<hbm>> -> memref<1600xi32, #tpu.memory_space<hbm>>
    %dma_wait3A_104 = tpu.memref_slice %arg2[%add3A_102] : memref<819200xi32, #tpu.memory_space<hbm>> -> memref<1600xi32, #tpu.memory_space<hbm>>
    tpu.wait_dma2 semaphore(%arg9 : memref<!tpu.dma_semaphore, #tpu.memory_space<semaphore_mem>>) src(%dma_wait3A_104 : memref<1600xi32, #tpu.memory_space<hbm>>) dst(%arg5 : memref<1600xi32, #tpu.memory_space<vmem>>)
    %add3A_105 = arith.constant 3200 : i32
    %add3A_106 = arith.addi %mul3A_2, %add3A_105 : i32
    %dma_wait3A_107 = arith.constant 0 : i32
    %dma_wait3A_108 = tpu.memref_slice %arg4[%add3A_106, %dma_wait3A_107] : memref<819200x32xf32, #tpu.memory_space<hbm>> -> memref<1600x32xf32, #tpu.memory_space<hbm>>
    %dma_wait3A_109 = arith.constant 0 : i32
    %dma_wait3A_110 = tpu.memref_slice %arg4[%add3A_106, %dma_wait3A_109] : memref<819200x32xf32, #tpu.memory_space<hbm>> -> memref<1600x32xf32, #tpu.memory_space<hbm>>
    tpu.wait_dma2 semaphore(%arg13 : memref<!tpu.dma_semaphore, #tpu.memory_space<semaphore_mem>>) src(%arg7 : memref<1600x32xf32, #tpu.memory_space<vmem>>) dst(%dma_wait3A_110 : memref<1600x32xf32, #tpu.memory_space<hbm>>)
    %dma_start3A_111 = arith.constant 0 : i32
    %dma_start3A_112 = arith.constant 0 : i32
    %dma_start3A_113 = tpu.memref_slice %arg3[%dma_start3A_111, %dma_start3A_112] : memref<1000000x32xf32, #tpu.memory_space<hbm>> -> memref<1000000x32xf32, #tpu.memory_space<hbm>>
    tpu.enqueue_indirect_dma source(%dma_start3A_113 : memref<1000000x32xf32, #tpu.memory_space<hbm>>) target(%arg7 : memref<1600x32xf32, #tpu.memory_space<vmem>>) offsets(%arg5 : memref<1600xi32, #tpu.memory_space<vmem>>) semaphore(%arg11 : memref<!tpu.dma_semaphore, #tpu.memory_space<semaphore_mem>>)
    %dma_wait3A_114 = arith.constant 0 : i32
    %dma_wait3A_115 = arith.constant 0 : i32
    %dma_wait3A_116 = tpu.memref_slice %arg3[%dma_wait3A_114, %dma_wait3A_115] : memref<1000000x32xf32, #tpu.memory_space<hbm>> -> memref<1000000x32xf32, #tpu.memory_space<hbm>>
    tpu.wait_indirect_dma semaphore(%arg11 : memref<!tpu.dma_semaphore, #tpu.memory_space<semaphore_mem>>) src(%dma_wait3A_116 : memref<1000000x32xf32, #tpu.memory_space<hbm>>) dst(%arg7 : memref<1600x32xf32, #tpu.memory_space<vmem>>)
    %add3A_117 = arith.constant 9600 : i32
    %add3A_118 = arith.addi %mul3A_2, %add3A_117 : i32
    %dma_start3A_119 = tpu.memref_slice %arg2[%add3A_118] : memref<819200xi32, #tpu.memory_space<hbm>> -> memref<1600xi32, #tpu.memory_space<hbm>>
    %dma_start3A_120 = tpu.memref_slice %arg2[%add3A_118] : memref<819200xi32, #tpu.memory_space<hbm>> -> memref<1600xi32, #tpu.memory_space<hbm>>
    tpu.enqueue_dma source(%dma_start3A_120 : memref<1600xi32, #tpu.memory_space<hbm>>) target(%arg5 : memref<1600xi32, #tpu.memory_space<vmem>>) target_semaphore(%arg9 : memref<!tpu.dma_semaphore, #tpu.memory_space<semaphore_mem>>)
    %add3A_121 = arith.constant 6400 : i32
    %add3A_122 = arith.addi %mul3A_2, %add3A_121 : i32
    %dma_start3A_123 = arith.constant 0 : i32
    %dma_start3A_124 = tpu.memref_slice %arg4[%add3A_122, %dma_start3A_123] : memref<819200x32xf32, #tpu.memory_space<hbm>> -> memref<1600x32xf32, #tpu.memory_space<hbm>>
    %dma_start3A_125 = arith.constant 0 : i32
    %dma_start3A_126 = tpu.memref_slice %arg4[%add3A_122, %dma_start3A_125] : memref<819200x32xf32, #tpu.memory_space<hbm>> -> memref<1600x32xf32, #tpu.memory_space<hbm>>
    tpu.enqueue_dma source(%arg7 : memref<1600x32xf32, #tpu.memory_space<vmem>>) target(%dma_start3A_126 : memref<1600x32xf32, #tpu.memory_space<hbm>>) target_semaphore(%arg13 : memref<!tpu.dma_semaphore, #tpu.memory_space<semaphore_mem>>)
    %add3A_127 = arith.constant 8000 : i32
    %add3A_128 = arith.addi %mul3A_2, %add3A_127 : i32
    %dma_wait3A_129 = tpu.memref_slice %arg2[%add3A_128] : memref<819200xi32, #tpu.memory_space<hbm>> -> memref<1600xi32, #tpu.memory_space<hbm>>
    %dma_wait3A_130 = tpu.memref_slice %arg2[%add3A_128] : memref<819200xi32, #tpu.memory_space<hbm>> -> memref<1600xi32, #tpu.memory_space<hbm>>
    tpu.wait_dma2 semaphore(%arg10 : memref<!tpu.dma_semaphore, #tpu.memory_space<semaphore_mem>>) src(%dma_wait3A_130 : memref<1600xi32, #tpu.memory_space<hbm>>) dst(%arg6 : memref<1600xi32, #tpu.memory_space<vmem>>)
    %add3A_131 = arith.constant 4800 : i32
    %add3A_132 = arith.addi %mul3A_2, %add3A_131 : i32
    %dma_wait3A_133 = arith.constant 0 : i32
    %dma_wait3A_134 = tpu.memref_slice %arg4[%add3A_132, %dma_wait3A_133] : memref<819200x32xf32, #tpu.memory_space<hbm>> -> memref<1600x32xf32, #tpu.memory_space<hbm>>
    %dma_wait3A_135 = arith.constant 0 : i32
    %dma_wait3A_136 = tpu.memref_slice %arg4[%add3A_132, %dma_wait3A_135] : memref<819200x32xf32, #tpu.memory_space<hbm>> -> memref<1600x32xf32, #tpu.memory_space<hbm>>
    tpu.wait_dma2 semaphore(%arg14 : memref<!tpu.dma_semaphore, #tpu.memory_space<semaphore_mem>>) src(%arg8 : memref<1600x32xf32, #tpu.memory_space<vmem>>) dst(%dma_wait3A_136 : memref<1600x32xf32, #tpu.memory_space<hbm>>)
    %dma_start3A_137 = arith.constant 0 : i32
    %dma_start3A_138 = arith.constant 0 : i32
    %dma_start3A_139 = tpu.memref_slice %arg3[%dma_start3A_137, %dma_start3A_138] : memref<1000000x32xf32, #tpu.memory_space<hbm>> -> memref<1000000x32xf32, #tpu.memory_space<hbm>>
    tpu.enqueue_indirect_dma source(%dma_start3A_139 : memref<1000000x32xf32, #tpu.memory_space<hbm>>) target(%arg8 : memref<1600x32xf32, #tpu.memory_space<vmem>>) offsets(%arg6 : memref<1600xi32, #tpu.memory_space<vmem>>) semaphore(%arg12 : memref<!tpu.dma_semaphore, #tpu.memory_space<semaphore_mem>>)
    %dma_wait3A_140 = arith.constant 0 : i32
    %dma_wait3A_141 = arith.constant 0 : i32
    %dma_wait3A_142 = tpu.memref_slice %arg3[%dma_wait3A_140, %dma_wait3A_141] : memref<1000000x32xf32, #tpu.memory_space<hbm>> -> memref<1000000x32xf32, #tpu.memory_space<hbm>>
    tpu.wait_indirect_dma semaphore(%arg12 : memref<!tpu.dma_semaphore, #tpu.memory_space<semaphore_mem>>) src(%dma_wait3A_142 : memref<1000000x32xf32, #tpu.memory_space<hbm>>) dst(%arg8 : memref<1600x32xf32, #tpu.memory_space<vmem>>)
    %add3A_143 = arith.constant 11200 : i32
    %add3A_144 = arith.addi %mul3A_2, %add3A_143 : i32
    %dma_start3A_145 = tpu.memref_slice %arg2[%add3A_144] : memref<819200xi32, #tpu.memory_space<hbm>> -> memref<1600xi32, #tpu.memory_space<hbm>>
    %dma_start3A_146 = tpu.memref_slice %arg2[%add3A_144] : memref<819200xi32, #tpu.memory_space<hbm>> -> memref<1600xi32, #tpu.memory_space<hbm>>
    tpu.enqueue_dma source(%dma_start3A_146 : memref<1600xi32, #tpu.memory_space<hbm>>) target(%arg6 : memref<1600xi32, #tpu.memory_space<vmem>>) target_semaphore(%arg10 : memref<!tpu.dma_semaphore, #tpu.memory_space<semaphore_mem>>)
    %add3A_147 = arith.constant 8000 : i32
    %add3A_148 = arith.addi %mul3A_2, %add3A_147 : i32
    %dma_start3A_149 = arith.constant 0 : i32
    %dma_start3A_150 = tpu.memref_slice %arg4[%add3A_148, %dma_start3A_149] : memref<819200x32xf32, #tpu.memory_space<hbm>> -> memref<1600x32xf32, #tpu.memory_space<hbm>>
    %dma_start3A_151 = arith.constant 0 : i32
    %dma_start3A_152 = tpu.memref_slice %arg4[%add3A_148, %dma_start3A_151] : memref<819200x32xf32, #tpu.memory_space<hbm>> -> memref<1600x32xf32, #tpu.memory_space<hbm>>
    tpu.enqueue_dma source(%arg8 : memref<1600x32xf32, #tpu.memory_space<vmem>>) target(%dma_start3A_152 : memref<1600x32xf32, #tpu.memory_space<hbm>>) target_semaphore(%arg14 : memref<!tpu.dma_semaphore, #tpu.memory_space<semaphore_mem>>)
    %add3A_153 = arith.constant 9600 : i32
    %add3A_154 = arith.addi %mul3A_2, %add3A_153 : i32
    %dma_wait3A_155 = tpu.memref_slice %arg2[%add3A_154] : memref<819200xi32, #tpu.memory_space<hbm>> -> memref<1600xi32, #tpu.memory_space<hbm>>
    %dma_wait3A_156 = tpu.memref_slice %arg2[%add3A_154] : memref<819200xi32, #tpu.memory_space<hbm>> -> memref<1600xi32, #tpu.memory_space<hbm>>
    tpu.wait_dma2 semaphore(%arg9 : memref<!tpu.dma_semaphore, #tpu.memory_space<semaphore_mem>>) src(%dma_wait3A_156 : memref<1600xi32, #tpu.memory_space<hbm>>) dst(%arg5 : memref<1600xi32, #tpu.memory_space<vmem>>)
    %add3A_157 = arith.constant 6400 : i32
    %add3A_158 = arith.addi %mul3A_2, %add3A_157 : i32
    %dma_wait3A_159 = arith.constant 0 : i32
    %dma_wait3A_160 = tpu.memref_slice %arg4[%add3A_158, %dma_wait3A_159] : memref<819200x32xf32, #tpu.memory_space<hbm>> -> memref<1600x32xf32, #tpu.memory_space<hbm>>
    %dma_wait3A_161 = arith.constant 0 : i32
    %dma_wait3A_162 = tpu.memref_slice %arg4[%add3A_158, %dma_wait3A_161] : memref<819200x32xf32, #tpu.memory_space<hbm>> -> memref<1600x32xf32, #tpu.memory_space<hbm>>
    tpu.wait_dma2 semaphore(%arg13 : memref<!tpu.dma_semaphore, #tpu.memory_space<semaphore_mem>>) src(%arg7 : memref<1600x32xf32, #tpu.memory_space<vmem>>) dst(%dma_wait3A_162 : memref<1600x32xf32, #tpu.memory_space<hbm>>)
    %dma_start3A_163 = arith.constant 0 : i32
    %dma_start3A_164 = arith.constant 0 : i32
    %dma_start3A_165 = tpu.memref_slice %arg3[%dma_start3A_163, %dma_start3A_164] : memref<1000000x32xf32, #tpu.memory_space<hbm>> -> memref<1000000x32xf32, #tpu.memory_space<hbm>>
    tpu.enqueue_indirect_dma source(%dma_start3A_165 : memref<1000000x32xf32, #tpu.memory_space<hbm>>) target(%arg7 : memref<1600x32xf32, #tpu.memory_space<vmem>>) offsets(%arg5 : memref<1600xi32, #tpu.memory_space<vmem>>) semaphore(%arg11 : memref<!tpu.dma_semaphore, #tpu.memory_space<semaphore_mem>>)
    %dma_wait3A_166 = arith.constant 0 : i32
    %dma_wait3A_167 = arith.constant 0 : i32
    %dma_wait3A_168 = tpu.memref_slice %arg3[%dma_wait3A_166, %dma_wait3A_167] : memref<1000000x32xf32, #tpu.memory_space<hbm>> -> memref<1000000x32xf32, #tpu.memory_space<hbm>>
    tpu.wait_indirect_dma semaphore(%arg11 : memref<!tpu.dma_semaphore, #tpu.memory_space<semaphore_mem>>) src(%dma_wait3A_168 : memref<1000000x32xf32, #tpu.memory_space<hbm>>) dst(%arg7 : memref<1600x32xf32, #tpu.memory_space<vmem>>)
    %add3A_169 = arith.constant 12800 : i32
    %add3A_170 = arith.addi %mul3A_2, %add3A_169 : i32
    %dma_start3A_171 = tpu.memref_slice %arg2[%add3A_170] : memref<819200xi32, #tpu.memory_space<hbm>> -> memref<1600xi32, #tpu.memory_space<hbm>>
    %dma_start3A_172 = tpu.memref_slice %arg2[%add3A_170] : memref<819200xi32, #tpu.memory_space<hbm>> -> memref<1600xi32, #tpu.memory_space<hbm>>
    tpu.enqueue_dma source(%dma_start3A_172 : memref<1600xi32, #tpu.memory_space<hbm>>) target(%arg5 : memref<1600xi32, #tpu.memory_space<vmem>>) target_semaphore(%arg9 : memref<!tpu.dma_semaphore, #tpu.memory_space<semaphore_mem>>)
    %add3A_173 = arith.constant 9600 : i32
    %add3A_174 = arith.addi %mul3A_2, %add3A_173 : i32
    %dma_start3A_175 = arith.constant 0 : i32
    %dma_start3A_176 = tpu.memref_slice %arg4[%add3A_174, %dma_start3A_175] : memref<819200x32xf32, #tpu.memory_space<hbm>> -> memref<1600x32xf32, #tpu.memory_space<hbm>>
    %dma_start3A_177 = arith.constant 0 : i32
    %dma_start3A_178 = tpu.memref_slice %arg4[%add3A_174, %dma_start3A_177] : memref<819200x32xf32, #tpu.memory_space<hbm>> -> memref<1600x32xf32, #tpu.memory_space<hbm>>
    tpu.enqueue_dma source(%arg7 : memref<1600x32xf32, #tpu.memory_space<vmem>>) target(%dma_start3A_178 : memref<1600x32xf32, #tpu.memory_space<hbm>>) target_semaphore(%arg13 : memref<!tpu.dma_semaphore, #tpu.memory_space<semaphore_mem>>)
    %add3A_179 = arith.constant 11200 : i32
    %add3A_180 = arith.addi %mul3A_2, %add3A_179 : i32
    %dma_wait3A_181 = tpu.memref_slice %arg2[%add3A_180] : memref<819200xi32, #tpu.memory_space<hbm>> -> memref<1600xi32, #tpu.memory_space<hbm>>
    %dma_wait3A_182 = tpu.memref_slice %arg2[%add3A_180] : memref<819200xi32, #tpu.memory_space<hbm>> -> memref<1600xi32, #tpu.memory_space<hbm>>
    tpu.wait_dma2 semaphore(%arg10 : memref<!tpu.dma_semaphore, #tpu.memory_space<semaphore_mem>>) src(%dma_wait3A_182 : memref<1600xi32, #tpu.memory_space<hbm>>) dst(%arg6 : memref<1600xi32, #tpu.memory_space<vmem>>)
    %add3A_183 = arith.constant 8000 : i32
    %add3A_184 = arith.addi %mul3A_2, %add3A_183 : i32
    %dma_wait3A_185 = arith.constant 0 : i32
    %dma_wait3A_186 = tpu.memref_slice %arg4[%add3A_184, %dma_wait3A_185] : memref<819200x32xf32, #tpu.memory_space<hbm>> -> memref<1600x32xf32, #tpu.memory_space<hbm>>
    %dma_wait3A_187 = arith.constant 0 : i32
    %dma_wait3A_188 = tpu.memref_slice %arg4[%add3A_184, %dma_wait3A_187] : memref<819200x32xf32, #tpu.memory_space<hbm>> -> memref<1600x32xf32, #tpu.memory_space<hbm>>
    tpu.wait_dma2 semaphore(%arg14 : memref<!tpu.dma_semaphore, #tpu.memory_space<semaphore_mem>>) src(%arg8 : memref<1600x32xf32, #tpu.memory_space<vmem>>) dst(%dma_wait3A_188 : memref<1600x32xf32, #tpu.memory_space<hbm>>)
    %dma_start3A_189 = arith.constant 0 : i32
    %dma_start3A_190 = arith.constant 0 : i32
    %dma_start3A_191 = tpu.memref_slice %arg3[%dma_start3A_189, %dma_start3A_190] : memref<1000000x32xf32, #tpu.memory_space<hbm>> -> memref<1000000x32xf32, #tpu.memory_space<hbm>>
    tpu.enqueue_indirect_dma source(%dma_start3A_191 : memref<1000000x32xf32, #tpu.memory_space<hbm>>) target(%arg8 : memref<1600x32xf32, #tpu.memory_space<vmem>>) offsets(%arg6 : memref<1600xi32, #tpu.memory_space<vmem>>) semaphore(%arg12 : memref<!tpu.dma_semaphore, #tpu.memory_space<semaphore_mem>>)
    %dma_wait3A_192 = arith.constant 0 : i32
    %dma_wait3A_193 = arith.constant 0 : i32
    %dma_wait3A_194 = tpu.memref_slice %arg3[%dma_wait3A_192, %dma_wait3A_193] : memref<1000000x32xf32, #tpu.memory_space<hbm>> -> memref<1000000x32xf32, #tpu.memory_space<hbm>>
    tpu.wait_indirect_dma semaphore(%arg12 : memref<!tpu.dma_semaphore, #tpu.memory_space<semaphore_mem>>) src(%dma_wait3A_194 : memref<1000000x32xf32, #tpu.memory_space<hbm>>) dst(%arg8 : memref<1600x32xf32, #tpu.memory_space<vmem>>)
    %add3A_195 = arith.constant 14400 : i32
    %add3A_196 = arith.addi %mul3A_2, %add3A_195 : i32
    %dma_start3A_197 = tpu.memref_slice %arg2[%add3A_196] : memref<819200xi32, #tpu.memory_space<hbm>> -> memref<1600xi32, #tpu.memory_space<hbm>>
    %dma_start3A_198 = tpu.memref_slice %arg2[%add3A_196] : memref<819200xi32, #tpu.memory_space<hbm>> -> memref<1600xi32, #tpu.memory_space<hbm>>
    tpu.enqueue_dma source(%dma_start3A_198 : memref<1600xi32, #tpu.memory_space<hbm>>) target(%arg6 : memref<1600xi32, #tpu.memory_space<vmem>>) target_semaphore(%arg10 : memref<!tpu.dma_semaphore, #tpu.memory_space<semaphore_mem>>)
    %add3A_199 = arith.constant 11200 : i32
    %add3A_200 = arith.addi %mul3A_2, %add3A_199 : i32
    %dma_start3A_201 = arith.constant 0 : i32
    %dma_start3A_202 = tpu.memref_slice %arg4[%add3A_200, %dma_start3A_201] : memref<819200x32xf32, #tpu.memory_space<hbm>> -> memref<1600x32xf32, #tpu.memory_space<hbm>>
    %dma_start3A_203 = arith.constant 0 : i32
    %dma_start3A_204 = tpu.memref_slice %arg4[%add3A_200, %dma_start3A_203] : memref<819200x32xf32, #tpu.memory_space<hbm>> -> memref<1600x32xf32, #tpu.memory_space<hbm>>
    tpu.enqueue_dma source(%arg8 : memref<1600x32xf32, #tpu.memory_space<vmem>>) target(%dma_start3A_204 : memref<1600x32xf32, #tpu.memory_space<hbm>>) target_semaphore(%arg14 : memref<!tpu.dma_semaphore, #tpu.memory_space<semaphore_mem>>)
    %add3A_205 = arith.constant 12800 : i32
    %add3A_206 = arith.addi %mul3A_2, %add3A_205 : i32
    %dma_wait3A_207 = tpu.memref_slice %arg2[%add3A_206] : memref<819200xi32, #tpu.memory_space<hbm>> -> memref<1600xi32, #tpu.memory_space<hbm>>
    %dma_wait3A_208 = tpu.memref_slice %arg2[%add3A_206] : memref<819200xi32, #tpu.memory_space<hbm>> -> memref<1600xi32, #tpu.memory_space<hbm>>
    tpu.wait_dma2 semaphore(%arg9 : memref<!tpu.dma_semaphore, #tpu.memory_space<semaphore_mem>>) src(%dma_wait3A_208 : memref<1600xi32, #tpu.memory_space<hbm>>) dst(%arg5 : memref<1600xi32, #tpu.memory_space<vmem>>)
    %add3A_209 = arith.constant 9600 : i32
    %add3A_210 = arith.addi %mul3A_2, %add3A_209 : i32
    %dma_wait3A_211 = arith.constant 0 : i32
    %dma_wait3A_212 = tpu.memref_slice %arg4[%add3A_210, %dma_wait3A_211] : memref<819200x32xf32, #tpu.memory_space<hbm>> -> memref<1600x32xf32, #tpu.memory_space<hbm>>
    %dma_wait3A_213 = arith.constant 0 : i32
    %dma_wait3A_214 = tpu.memref_slice %arg4[%add3A_210, %dma_wait3A_213] : memref<819200x32xf32, #tpu.memory_space<hbm>> -> memref<1600x32xf32, #tpu.memory_space<hbm>>
    tpu.wait_dma2 semaphore(%arg13 : memref<!tpu.dma_semaphore, #tpu.memory_space<semaphore_mem>>) src(%arg7 : memref<1600x32xf32, #tpu.memory_space<vmem>>) dst(%dma_wait3A_214 : memref<1600x32xf32, #tpu.memory_space<hbm>>)
    %dma_start3A_215 = arith.constant 0 : i32
    %dma_start3A_216 = arith.constant 0 : i32
    %dma_start3A_217 = tpu.memref_slice %arg3[%dma_start3A_215, %dma_start3A_216] : memref<1000000x32xf32, #tpu.memory_space<hbm>> -> memref<1000000x32xf32, #tpu.memory_space<hbm>>
    tpu.enqueue_indirect_dma source(%dma_start3A_217 : memref<1000000x32xf32, #tpu.memory_space<hbm>>) target(%arg7 : memref<1600x32xf32, #tpu.memory_space<vmem>>) offsets(%arg5 : memref<1600xi32, #tpu.memory_space<vmem>>) semaphore(%arg11 : memref<!tpu.dma_semaphore, #tpu.memory_space<semaphore_mem>>)
    %dma_wait3A_218 = arith.constant 0 : i32
    %dma_wait3A_219 = arith.constant 0 : i32
    %dma_wait3A_220 = tpu.memref_slice %arg3[%dma_wait3A_218, %dma_wait3A_219] : memref<1000000x32xf32, #tpu.memory_space<hbm>> -> memref<1000000x32xf32, #tpu.memory_space<hbm>>
    tpu.wait_indirect_dma semaphore(%arg11 : memref<!tpu.dma_semaphore, #tpu.memory_space<semaphore_mem>>) src(%dma_wait3A_220 : memref<1000000x32xf32, #tpu.memory_space<hbm>>) dst(%arg7 : memref<1600x32xf32, #tpu.memory_space<vmem>>)
    %add3A_221 = arith.constant 16000 : i32
    %add3A_222 = arith.addi %mul3A_2, %add3A_221 : i32
    %dma_start3A_223 = tpu.memref_slice %arg2[%add3A_222] : memref<819200xi32, #tpu.memory_space<hbm>> -> memref<1600xi32, #tpu.memory_space<hbm>>
    %dma_start3A_224 = tpu.memref_slice %arg2[%add3A_222] : memref<819200xi32, #tpu.memory_space<hbm>> -> memref<1600xi32, #tpu.memory_space<hbm>>
    tpu.enqueue_dma source(%dma_start3A_224 : memref<1600xi32, #tpu.memory_space<hbm>>) target(%arg5 : memref<1600xi32, #tpu.memory_space<vmem>>) target_semaphore(%arg9 : memref<!tpu.dma_semaphore, #tpu.memory_space<semaphore_mem>>)
    %add3A_225 = arith.constant 12800 : i32
    %add3A_226 = arith.addi %mul3A_2, %add3A_225 : i32
    %dma_start3A_227 = arith.constant 0 : i32
    %dma_start3A_228 = tpu.memref_slice %arg4[%add3A_226, %dma_start3A_227] : memref<819200x32xf32, #tpu.memory_space<hbm>> -> memref<1600x32xf32, #tpu.memory_space<hbm>>
    %dma_start3A_229 = arith.constant 0 : i32
    %dma_start3A_230 = tpu.memref_slice %arg4[%add3A_226, %dma_start3A_229] : memref<819200x32xf32, #tpu.memory_space<hbm>> -> memref<1600x32xf32, #tpu.memory_space<hbm>>
    tpu.enqueue_dma source(%arg7 : memref<1600x32xf32, #tpu.memory_space<vmem>>) target(%dma_start3A_230 : memref<1600x32xf32, #tpu.memory_space<hbm>>) target_semaphore(%arg13 : memref<!tpu.dma_semaphore, #tpu.memory_space<semaphore_mem>>)
    %add3A_231 = arith.constant 14400 : i32
    %add3A_232 = arith.addi %mul3A_2, %add3A_231 : i32
    %dma_wait3A_233 = tpu.memref_slice %arg2[%add3A_232] : memref<819200xi32, #tpu.memory_space<hbm>> -> memref<1600xi32, #tpu.memory_space<hbm>>
    %dma_wait3A_234 = tpu.memref_slice %arg2[%add3A_232] : memref<819200xi32, #tpu.memory_space<hbm>> -> memref<1600xi32, #tpu.memory_space<hbm>>
    tpu.wait_dma2 semaphore(%arg10 : memref<!tpu.dma_semaphore, #tpu.memory_space<semaphore_mem>>) src(%dma_wait3A_234 : memref<1600xi32, #tpu.memory_space<hbm>>) dst(%arg6 : memref<1600xi32, #tpu.memory_space<vmem>>)
    %add3A_235 = arith.constant 11200 : i32
    %add3A_236 = arith.addi %mul3A_2, %add3A_235 : i32
    %dma_wait3A_237 = arith.constant 0 : i32
    %dma_wait3A_238 = tpu.memref_slice %arg4[%add3A_236, %dma_wait3A_237] : memref<819200x32xf32, #tpu.memory_space<hbm>> -> memref<1600x32xf32, #tpu.memory_space<hbm>>
    %dma_wait3A_239 = arith.constant 0 : i32
    %dma_wait3A_240 = tpu.memref_slice %arg4[%add3A_236, %dma_wait3A_239] : memref<819200x32xf32, #tpu.memory_space<hbm>> -> memref<1600x32xf32, #tpu.memory_space<hbm>>
    tpu.wait_dma2 semaphore(%arg14 : memref<!tpu.dma_semaphore, #tpu.memory_space<semaphore_mem>>) src(%arg8 : memref<1600x32xf32, #tpu.memory_space<vmem>>) dst(%dma_wait3A_240 : memref<1600x32xf32, #tpu.memory_space<hbm>>)
    %dma_start3A_241 = arith.constant 0 : i32
    %dma_start3A_242 = arith.constant 0 : i32
    %dma_start3A_243 = tpu.memref_slice %arg3[%dma_start3A_241, %dma_start3A_242] : memref<1000000x32xf32, #tpu.memory_space<hbm>> -> memref<1000000x32xf32, #tpu.memory_space<hbm>>
    tpu.enqueue_indirect_dma source(%dma_start3A_243 : memref<1000000x32xf32, #tpu.memory_space<hbm>>) target(%arg8 : memref<1600x32xf32, #tpu.memory_space<vmem>>) offsets(%arg6 : memref<1600xi32, #tpu.memory_space<vmem>>) semaphore(%arg12 : memref<!tpu.dma_semaphore, #tpu.memory_space<semaphore_mem>>)
    %dma_wait3A_244 = arith.constant 0 : i32
    %dma_wait3A_245 = arith.constant 0 : i32
    %dma_wait3A_246 = tpu.memref_slice %arg3[%dma_wait3A_244, %dma_wait3A_245] : memref<1000000x32xf32, #tpu.memory_space<hbm>> -> memref<1000000x32xf32, #tpu.memory_space<hbm>>
    tpu.wait_indirect_dma semaphore(%arg12 : memref<!tpu.dma_semaphore, #tpu.memory_space<semaphore_mem>>) src(%dma_wait3A_246 : memref<1000000x32xf32, #tpu.memory_space<hbm>>) dst(%arg8 : memref<1600x32xf32, #tpu.memory_space<vmem>>)
    %add3A_247 = arith.constant 17600 : i32
    %add3A_248 = arith.addi %mul3A_2, %add3A_247 : i32
    %dma_start3A_249 = tpu.memref_slice %arg2[%add3A_248] : memref<819200xi32, #tpu.memory_space<hbm>> -> memref<1600xi32, #tpu.memory_space<hbm>>
    %dma_start3A_250 = tpu.memref_slice %arg2[%add3A_248] : memref<819200xi32, #tpu.memory_space<hbm>> -> memref<1600xi32, #tpu.memory_space<hbm>>
    tpu.enqueue_dma source(%dma_start3A_250 : memref<1600xi32, #tpu.memory_space<hbm>>) target(%arg6 : memref<1600xi32, #tpu.memory_space<vmem>>) target_semaphore(%arg10 : memref<!tpu.dma_semaphore, #tpu.memory_space<semaphore_mem>>)
    %add3A_251 = arith.constant 14400 : i32
    %add3A_252 = arith.addi %mul3A_2, %add3A_251 : i32
    %dma_start3A_253 = arith.constant 0 : i32
    %dma_start3A_254 = tpu.memref_slice %arg4[%add3A_252, %dma_start3A_253] : memref<819200x32xf32, #tpu.memory_space<hbm>> -> memref<1600x32xf32, #tpu.memory_space<hbm>>
    %dma_start3A_255 = arith.constant 0 : i32
    %dma_start3A_256 = tpu.memref_slice %arg4[%add3A_252, %dma_start3A_255] : memref<819200x32xf32, #tpu.memory_space<hbm>> -> memref<1600x32xf32, #tpu.memory_space<hbm>>
    tpu.enqueue_dma source(%arg8 : memref<1600x32xf32, #tpu.memory_space<vmem>>) target(%dma_start3A_256 : memref<1600x32xf32, #tpu.memory_space<hbm>>) target_semaphore(%arg14 : memref<!tpu.dma_semaphore, #tpu.memory_space<semaphore_mem>>)
    %add3A_257 = arith.constant 16000 : i32
    %add3A_258 = arith.addi %mul3A_2, %add3A_257 : i32
    %dma_wait3A_259 = tpu.memref_slice %arg2[%add3A_258] : memref<819200xi32, #tpu.memory_space<hbm>> -> memref<1600xi32, #tpu.memory_space<hbm>>
    %dma_wait3A_260 = tpu.memref_slice %arg2[%add3A_258] : memref<819200xi32, #tpu.memory_space<hbm>> -> memref<1600xi32, #tpu.memory_space<hbm>>
    tpu.wait_dma2 semaphore(%arg9 : memref<!tpu.dma_semaphore, #tpu.memory_space<semaphore_mem>>) src(%dma_wait3A_260 : memref<1600xi32, #tpu.memory_space<hbm>>) dst(%arg5 : memref<1600xi32, #tpu.memory_space<vmem>>)
    %add3A_261 = arith.constant 12800 : i32
    %add3A_262 = arith.addi %mul3A_2, %add3A_261 : i32
    %dma_wait3A_263 = arith.constant 0 : i32
    %dma_wait3A_264 = tpu.memref_slice %arg4[%add3A_262, %dma_wait3A_263] : memref<819200x32xf32, #tpu.memory_space<hbm>> -> memref<1600x32xf32, #tpu.memory_space<hbm>>
    %dma_wait3A_265 = arith.constant 0 : i32
    %dma_wait3A_266 = tpu.memref_slice %arg4[%add3A_262, %dma_wait3A_265] : memref<819200x32xf32, #tpu.memory_space<hbm>> -> memref<1600x32xf32, #tpu.memory_space<hbm>>
    tpu.wait_dma2 semaphore(%arg13 : memref<!tpu.dma_semaphore, #tpu.memory_space<semaphore_mem>>) src(%arg7 : memref<1600x32xf32, #tpu.memory_space<vmem>>) dst(%dma_wait3A_266 : memref<1600x32xf32, #tpu.memory_space<hbm>>)
    %dma_start3A_267 = arith.constant 0 : i32
    %dma_start3A_268 = arith.constant 0 : i32
    %dma_start3A_269 = tpu.memref_slice %arg3[%dma_start3A_267, %dma_start3A_268] : memref<1000000x32xf32, #tpu.memory_space<hbm>> -> memref<1000000x32xf32, #tpu.memory_space<hbm>>
    tpu.enqueue_indirect_dma source(%dma_start3A_269 : memref<1000000x32xf32, #tpu.memory_space<hbm>>) target(%arg7 : memref<1600x32xf32, #tpu.memory_space<vmem>>) offsets(%arg5 : memref<1600xi32, #tpu.memory_space<vmem>>) semaphore(%arg11 : memref<!tpu.dma_semaphore, #tpu.memory_space<semaphore_mem>>)
    %dma_wait3A_270 = arith.constant 0 : i32
    %dma_wait3A_271 = arith.constant 0 : i32
    %dma_wait3A_272 = tpu.memref_slice %arg3[%dma_wait3A_270, %dma_wait3A_271] : memref<1000000x32xf32, #tpu.memory_space<hbm>> -> memref<1000000x32xf32, #tpu.memory_space<hbm>>
    tpu.wait_indirect_dma semaphore(%arg11 : memref<!tpu.dma_semaphore, #tpu.memory_space<semaphore_mem>>) src(%dma_wait3A_272 : memref<1000000x32xf32, #tpu.memory_space<hbm>>) dst(%arg7 : memref<1600x32xf32, #tpu.memory_space<vmem>>)
    %add3A_273 = arith.constant 19200 : i32
    %add3A_274 = arith.addi %mul3A_2, %add3A_273 : i32
    %dma_start3A_275 = tpu.memref_slice %arg2[%add3A_274] : memref<819200xi32, #tpu.memory_space<hbm>> -> memref<1600xi32, #tpu.memory_space<hbm>>
    %dma_start3A_276 = tpu.memref_slice %arg2[%add3A_274] : memref<819200xi32, #tpu.memory_space<hbm>> -> memref<1600xi32, #tpu.memory_space<hbm>>
    tpu.enqueue_dma source(%dma_start3A_276 : memref<1600xi32, #tpu.memory_space<hbm>>) target(%arg5 : memref<1600xi32, #tpu.memory_space<vmem>>) target_semaphore(%arg9 : memref<!tpu.dma_semaphore, #tpu.memory_space<semaphore_mem>>)
    %add3A_277 = arith.constant 16000 : i32
    %add3A_278 = arith.addi %mul3A_2, %add3A_277 : i32
    %dma_start3A_279 = arith.constant 0 : i32
    %dma_start3A_280 = tpu.memref_slice %arg4[%add3A_278, %dma_start3A_279] : memref<819200x32xf32, #tpu.memory_space<hbm>> -> memref<1600x32xf32, #tpu.memory_space<hbm>>
    %dma_start3A_281 = arith.constant 0 : i32
    %dma_start3A_282 = tpu.memref_slice %arg4[%add3A_278, %dma_start3A_281] : memref<819200x32xf32, #tpu.memory_space<hbm>> -> memref<1600x32xf32, #tpu.memory_space<hbm>>
    tpu.enqueue_dma source(%arg7 : memref<1600x32xf32, #tpu.memory_space<vmem>>) target(%dma_start3A_282 : memref<1600x32xf32, #tpu.memory_space<hbm>>) target_semaphore(%arg13 : memref<!tpu.dma_semaphore, #tpu.memory_space<semaphore_mem>>)
    %add3A_283 = arith.constant 17600 : i32
    %add3A_284 = arith.addi %mul3A_2, %add3A_283 : i32
    %dma_wait3A_285 = tpu.memref_slice %arg2[%add3A_284] : memref<819200xi32, #tpu.memory_space<hbm>> -> memref<1600xi32, #tpu.memory_space<hbm>>
    %dma_wait3A_286 = tpu.memref_slice %arg2[%add3A_284] : memref<819200xi32, #tpu.memory_space<hbm>> -> memref<1600xi32, #tpu.memory_space<hbm>>
    tpu.wait_dma2 semaphore(%arg10 : memref<!tpu.dma_semaphore, #tpu.memory_space<semaphore_mem>>) src(%dma_wait3A_286 : memref<1600xi32, #tpu.memory_space<hbm>>) dst(%arg6 : memref<1600xi32, #tpu.memory_space<vmem>>)
    %add3A_287 = arith.constant 14400 : i32
    %add3A_288 = arith.addi %mul3A_2, %add3A_287 : i32
    %dma_wait3A_289 = arith.constant 0 : i32
    %dma_wait3A_290 = tpu.memref_slice %arg4[%add3A_288, %dma_wait3A_289] : memref<819200x32xf32, #tpu.memory_space<hbm>> -> memref<1600x32xf32, #tpu.memory_space<hbm>>
    %dma_wait3A_291 = arith.constant 0 : i32
    %dma_wait3A_292 = tpu.memref_slice %arg4[%add3A_288, %dma_wait3A_291] : memref<819200x32xf32, #tpu.memory_space<hbm>> -> memref<1600x32xf32, #tpu.memory_space<hbm>>
    tpu.wait_dma2 semaphore(%arg14 : memref<!tpu.dma_semaphore, #tpu.memory_space<semaphore_mem>>) src(%arg8 : memref<1600x32xf32, #tpu.memory_space<vmem>>) dst(%dma_wait3A_292 : memref<1600x32xf32, #tpu.memory_space<hbm>>)
    %dma_start3A_293 = arith.constant 0 : i32
    %dma_start3A_294 = arith.constant 0 : i32
    %dma_start3A_295 = tpu.memref_slice %arg3[%dma_start3A_293, %dma_start3A_294] : memref<1000000x32xf32, #tpu.memory_space<hbm>> -> memref<1000000x32xf32, #tpu.memory_space<hbm>>
    tpu.enqueue_indirect_dma source(%dma_start3A_295 : memref<1000000x32xf32, #tpu.memory_space<hbm>>) target(%arg8 : memref<1600x32xf32, #tpu.memory_space<vmem>>) offsets(%arg6 : memref<1600xi32, #tpu.memory_space<vmem>>) semaphore(%arg12 : memref<!tpu.dma_semaphore, #tpu.memory_space<semaphore_mem>>)
    %dma_wait3A_296 = arith.constant 0 : i32
    %dma_wait3A_297 = arith.constant 0 : i32
    %dma_wait3A_298 = tpu.memref_slice %arg3[%dma_wait3A_296, %dma_wait3A_297] : memref<1000000x32xf32, #tpu.memory_space<hbm>> -> memref<1000000x32xf32, #tpu.memory_space<hbm>>
    tpu.wait_indirect_dma semaphore(%arg12 : memref<!tpu.dma_semaphore, #tpu.memory_space<semaphore_mem>>) src(%dma_wait3A_298 : memref<1000000x32xf32, #tpu.memory_space<hbm>>) dst(%arg8 : memref<1600x32xf32, #tpu.memory_space<vmem>>)
    %add3A_299 = arith.constant 20800 : i32
    %add3A_300 = arith.addi %mul3A_2, %add3A_299 : i32
    %dma_start3A_301 = tpu.memref_slice %arg2[%add3A_300] : memref<819200xi32, #tpu.memory_space<hbm>> -> memref<1600xi32, #tpu.memory_space<hbm>>
    %dma_start3A_302 = tpu.memref_slice %arg2[%add3A_300] : memref<819200xi32, #tpu.memory_space<hbm>> -> memref<1600xi32, #tpu.memory_space<hbm>>
    tpu.enqueue_dma source(%dma_start3A_302 : memref<1600xi32, #tpu.memory_space<hbm>>) target(%arg6 : memref<1600xi32, #tpu.memory_space<vmem>>) target_semaphore(%arg10 : memref<!tpu.dma_semaphore, #tpu.memory_space<semaphore_mem>>)
    %add3A_303 = arith.constant 17600 : i32
    %add3A_304 = arith.addi %mul3A_2, %add3A_303 : i32
    %dma_start3A_305 = arith.constant 0 : i32
    %dma_start3A_306 = tpu.memref_slice %arg4[%add3A_304, %dma_start3A_305] : memref<819200x32xf32, #tpu.memory_space<hbm>> -> memref<1600x32xf32, #tpu.memory_space<hbm>>
    %dma_start3A_307 = arith.constant 0 : i32
    %dma_start3A_308 = tpu.memref_slice %arg4[%add3A_304, %dma_start3A_307] : memref<819200x32xf32, #tpu.memory_space<hbm>> -> memref<1600x32xf32, #tpu.memory_space<hbm>>
    tpu.enqueue_dma source(%arg8 : memref<1600x32xf32, #tpu.memory_space<vmem>>) target(%dma_start3A_308 : memref<1600x32xf32, #tpu.memory_space<hbm>>) target_semaphore(%arg14 : memref<!tpu.dma_semaphore, #tpu.memory_space<semaphore_mem>>)
    %add3A_309 = arith.constant 19200 : i32
    %add3A_310 = arith.addi %mul3A_2, %add3A_309 : i32
    %dma_wait3A_311 = tpu.memref_slice %arg2[%add3A_310] : memref<819200xi32, #tpu.memory_space<hbm>> -> memref<1600xi32, #tpu.memory_space<hbm>>
    %dma_wait3A_312 = tpu.memref_slice %arg2[%add3A_310] : memref<819200xi32, #tpu.memory_space<hbm>> -> memref<1600xi32, #tpu.memory_space<hbm>>
    tpu.wait_dma2 semaphore(%arg9 : memref<!tpu.dma_semaphore, #tpu.memory_space<semaphore_mem>>) src(%dma_wait3A_312 : memref<1600xi32, #tpu.memory_space<hbm>>) dst(%arg5 : memref<1600xi32, #tpu.memory_space<vmem>>)
    %add3A_313 = arith.constant 16000 : i32
    %add3A_314 = arith.addi %mul3A_2, %add3A_313 : i32
    %dma_wait3A_315 = arith.constant 0 : i32
    %dma_wait3A_316 = tpu.memref_slice %arg4[%add3A_314, %dma_wait3A_315] : memref<819200x32xf32, #tpu.memory_space<hbm>> -> memref<1600x32xf32, #tpu.memory_space<hbm>>
    %dma_wait3A_317 = arith.constant 0 : i32
    %dma_wait3A_318 = tpu.memref_slice %arg4[%add3A_314, %dma_wait3A_317] : memref<819200x32xf32, #tpu.memory_space<hbm>> -> memref<1600x32xf32, #tpu.memory_space<hbm>>
    tpu.wait_dma2 semaphore(%arg13 : memref<!tpu.dma_semaphore, #tpu.memory_space<semaphore_mem>>) src(%arg7 : memref<1600x32xf32, #tpu.memory_space<vmem>>) dst(%dma_wait3A_318 : memref<1600x32xf32, #tpu.memory_space<hbm>>)
    %dma_start3A_319 = arith.constant 0 : i32
    %dma_start3A_320 = arith.constant 0 : i32
    %dma_start3A_321 = tpu.memref_slice %arg3[%dma_start3A_319, %dma_start3A_320] : memref<1000000x32xf32, #tpu.memory_space<hbm>> -> memref<1000000x32xf32, #tpu.memory_space<hbm>>
    tpu.enqueue_indirect_dma source(%dma_start3A_321 : memref<1000000x32xf32, #tpu.memory_space<hbm>>) target(%arg7 : memref<1600x32xf32, #tpu.memory_space<vmem>>) offsets(%arg5 : memref<1600xi32, #tpu.memory_space<vmem>>) semaphore(%arg11 : memref<!tpu.dma_semaphore, #tpu.memory_space<semaphore_mem>>)
    %dma_wait3A_322 = arith.constant 0 : i32
    %dma_wait3A_323 = arith.constant 0 : i32
    %dma_wait3A_324 = tpu.memref_slice %arg3[%dma_wait3A_322, %dma_wait3A_323] : memref<1000000x32xf32, #tpu.memory_space<hbm>> -> memref<1000000x32xf32, #tpu.memory_space<hbm>>
    tpu.wait_indirect_dma semaphore(%arg11 : memref<!tpu.dma_semaphore, #tpu.memory_space<semaphore_mem>>) src(%dma_wait3A_324 : memref<1000000x32xf32, #tpu.memory_space<hbm>>) dst(%arg7 : memref<1600x32xf32, #tpu.memory_space<vmem>>)
    %add3A_325 = arith.constant 22400 : i32
    %add3A_326 = arith.addi %mul3A_2, %add3A_325 : i32
    %dma_start3A_327 = tpu.memref_slice %arg2[%add3A_326] : memref<819200xi32, #tpu.memory_space<hbm>> -> memref<1600xi32, #tpu.memory_space<hbm>>
    %dma_start3A_328 = tpu.memref_slice %arg2[%add3A_326] : memref<819200xi32, #tpu.memory_space<hbm>> -> memref<1600xi32, #tpu.memory_space<hbm>>
    tpu.enqueue_dma source(%dma_start3A_328 : memref<1600xi32, #tpu.memory_space<hbm>>) target(%arg5 : memref<1600xi32, #tpu.memory_space<vmem>>) target_semaphore(%arg9 : memref<!tpu.dma_semaphore, #tpu.memory_space<semaphore_mem>>)
    %add3A_329 = arith.constant 19200 : i32
    %add3A_330 = arith.addi %mul3A_2, %add3A_329 : i32
    %dma_start3A_331 = arith.constant 0 : i32
    %dma_start3A_332 = tpu.memref_slice %arg4[%add3A_330, %dma_start3A_331] : memref<819200x32xf32, #tpu.memory_space<hbm>> -> memref<1600x32xf32, #tpu.memory_space<hbm>>
    %dma_start3A_333 = arith.constant 0 : i32
    %dma_start3A_334 = tpu.memref_slice %arg4[%add3A_330, %dma_start3A_333] : memref<819200x32xf32, #tpu.memory_space<hbm>> -> memref<1600x32xf32, #tpu.memory_space<hbm>>
    tpu.enqueue_dma source(%arg7 : memref<1600x32xf32, #tpu.memory_space<vmem>>) target(%dma_start3A_334 : memref<1600x32xf32, #tpu.memory_space<hbm>>) target_semaphore(%arg13 : memref<!tpu.dma_semaphore, #tpu.memory_space<semaphore_mem>>)
    %add3A_335 = arith.constant 20800 : i32
    %add3A_336 = arith.addi %mul3A_2, %add3A_335 : i32
    %dma_wait3A_337 = tpu.memref_slice %arg2[%add3A_336] : memref<819200xi32, #tpu.memory_space<hbm>> -> memref<1600xi32, #tpu.memory_space<hbm>>
    %dma_wait3A_338 = tpu.memref_slice %arg2[%add3A_336] : memref<819200xi32, #tpu.memory_space<hbm>> -> memref<1600xi32, #tpu.memory_space<hbm>>
    tpu.wait_dma2 semaphore(%arg10 : memref<!tpu.dma_semaphore, #tpu.memory_space<semaphore_mem>>) src(%dma_wait3A_338 : memref<1600xi32, #tpu.memory_space<hbm>>) dst(%arg6 : memref<1600xi32, #tpu.memory_space<vmem>>)
    %add3A_339 = arith.constant 17600 : i32
    %add3A_340 = arith.addi %mul3A_2, %add3A_339 : i32
    %dma_wait3A_341 = arith.constant 0 : i32
    %dma_wait3A_342 = tpu.memref_slice %arg4[%add3A_340, %dma_wait3A_341] : memref<819200x32xf32, #tpu.memory_space<hbm>> -> memref<1600x32xf32, #tpu.memory_space<hbm>>
    %dma_wait3A_343 = arith.constant 0 : i32
    %dma_wait3A_344 = tpu.memref_slice %arg4[%add3A_340, %dma_wait3A_343] : memref<819200x32xf32, #tpu.memory_space<hbm>> -> memref<1600x32xf32, #tpu.memory_space<hbm>>
    tpu.wait_dma2 semaphore(%arg14 : memref<!tpu.dma_semaphore, #tpu.memory_space<semaphore_mem>>) src(%arg8 : memref<1600x32xf32, #tpu.memory_space<vmem>>) dst(%dma_wait3A_344 : memref<1600x32xf32, #tpu.memory_space<hbm>>)
    %dma_start3A_345 = arith.constant 0 : i32
    %dma_start3A_346 = arith.constant 0 : i32
    %dma_start3A_347 = tpu.memref_slice %arg3[%dma_start3A_345, %dma_start3A_346] : memref<1000000x32xf32, #tpu.memory_space<hbm>> -> memref<1000000x32xf32, #tpu.memory_space<hbm>>
    tpu.enqueue_indirect_dma source(%dma_start3A_347 : memref<1000000x32xf32, #tpu.memory_space<hbm>>) target(%arg8 : memref<1600x32xf32, #tpu.memory_space<vmem>>) offsets(%arg6 : memref<1600xi32, #tpu.memory_space<vmem>>) semaphore(%arg12 : memref<!tpu.dma_semaphore, #tpu.memory_space<semaphore_mem>>)
    %dma_wait3A_348 = arith.constant 0 : i32
    %dma_wait3A_349 = arith.constant 0 : i32
    %dma_wait3A_350 = tpu.memref_slice %arg3[%dma_wait3A_348, %dma_wait3A_349] : memref<1000000x32xf32, #tpu.memory_space<hbm>> -> memref<1000000x32xf32, #tpu.memory_space<hbm>>
    tpu.wait_indirect_dma semaphore(%arg12 : memref<!tpu.dma_semaphore, #tpu.memory_space<semaphore_mem>>) src(%dma_wait3A_350 : memref<1000000x32xf32, #tpu.memory_space<hbm>>) dst(%arg8 : memref<1600x32xf32, #tpu.memory_space<vmem>>)
    %add3A_351 = arith.constant 24000 : i32
    %add3A_352 = arith.addi %mul3A_2, %add3A_351 : i32
    %dma_start3A_353 = tpu.memref_slice %arg2[%add3A_352] : memref<819200xi32, #tpu.memory_space<hbm>> -> memref<1600xi32, #tpu.memory_space<hbm>>
    %dma_start3A_354 = tpu.memref_slice %arg2[%add3A_352] : memref<819200xi32, #tpu.memory_space<hbm>> -> memref<1600xi32, #tpu.memory_space<hbm>>
    tpu.enqueue_dma source(%dma_start3A_354 : memref<1600xi32, #tpu.memory_space<hbm>>) target(%arg6 : memref<1600xi32, #tpu.memory_space<vmem>>) target_semaphore(%arg10 : memref<!tpu.dma_semaphore, #tpu.memory_space<semaphore_mem>>)
    %add3A_355 = arith.constant 20800 : i32
    %add3A_356 = arith.addi %mul3A_2, %add3A_355 : i32
    %dma_start3A_357 = arith.constant 0 : i32
    %dma_start3A_358 = tpu.memref_slice %arg4[%add3A_356, %dma_start3A_357] : memref<819200x32xf32, #tpu.memory_space<hbm>> -> memref<1600x32xf32, #tpu.memory_space<hbm>>
    %dma_start3A_359 = arith.constant 0 : i32
    %dma_start3A_360 = tpu.memref_slice %arg4[%add3A_356, %dma_start3A_359] : memref<819200x32xf32, #tpu.memory_space<hbm>> -> memref<1600x32xf32, #tpu.memory_space<hbm>>
    tpu.enqueue_dma source(%arg8 : memref<1600x32xf32, #tpu.memory_space<vmem>>) target(%dma_start3A_360 : memref<1600x32xf32, #tpu.memory_space<hbm>>) target_semaphore(%arg14 : memref<!tpu.dma_semaphore, #tpu.memory_space<semaphore_mem>>)
    %add3A_361 = arith.constant 22400 : i32
    %add3A_362 = arith.addi %mul3A_2, %add3A_361 : i32
    %dma_wait3A_363 = tpu.memref_slice %arg2[%add3A_362] : memref<819200xi32, #tpu.memory_space<hbm>> -> memref<1600xi32, #tpu.memory_space<hbm>>
    %dma_wait3A_364 = tpu.memref_slice %arg2[%add3A_362] : memref<819200xi32, #tpu.memory_space<hbm>> -> memref<1600xi32, #tpu.memory_space<hbm>>
    tpu.wait_dma2 semaphore(%arg9 : memref<!tpu.dma_semaphore, #tpu.memory_space<semaphore_mem>>) src(%dma_wait3A_364 : memref<1600xi32, #tpu.memory_space<hbm>>) dst(%arg5 : memref<1600xi32, #tpu.memory_space<vmem>>)
    %add3A_365 = arith.constant 19200 : i32
    %add3A_366 = arith.addi %mul3A_2, %add3A_365 : i32
    %dma_wait3A_367 = arith.constant 0 : i32
    %dma_wait3A_368 = tpu.memref_slice %arg4[%add3A_366, %dma_wait3A_367] : memref<819200x32xf32, #tpu.memory_space<hbm>> -> memref<1600x32xf32, #tpu.memory_space<hbm>>
    %dma_wait3A_369 = arith.constant 0 : i32
    %dma_wait3A_370 = tpu.memref_slice %arg4[%add3A_366, %dma_wait3A_369] : memref<819200x32xf32, #tpu.memory_space<hbm>> -> memref<1600x32xf32, #tpu.memory_space<hbm>>
    tpu.wait_dma2 semaphore(%arg13 : memref<!tpu.dma_semaphore, #tpu.memory_space<semaphore_mem>>) src(%arg7 : memref<1600x32xf32, #tpu.memory_space<vmem>>) dst(%dma_wait3A_370 : memref<1600x32xf32, #tpu.memory_space<hbm>>)
    %dma_start3A_371 = arith.constant 0 : i32
    %dma_start3A_372 = arith.constant 0 : i32
    %dma_start3A_373 = tpu.memref_slice %arg3[%dma_start3A_371, %dma_start3A_372] : memref<1000000x32xf32, #tpu.memory_space<hbm>> -> memref<1000000x32xf32, #tpu.memory_space<hbm>>
    tpu.enqueue_indirect_dma source(%dma_start3A_373 : memref<1000000x32xf32, #tpu.memory_space<hbm>>) target(%arg7 : memref<1600x32xf32, #tpu.memory_space<vmem>>) offsets(%arg5 : memref<1600xi32, #tpu.memory_space<vmem>>) semaphore(%arg11 : memref<!tpu.dma_semaphore, #tpu.memory_space<semaphore_mem>>)
    %dma_wait3A_374 = arith.constant 0 : i32
    %dma_wait3A_375 = arith.constant 0 : i32
    %dma_wait3A_376 = tpu.memref_slice %arg3[%dma_wait3A_374, %dma_wait3A_375] : memref<1000000x32xf32, #tpu.memory_space<hbm>> -> memref<1000000x32xf32, #tpu.memory_space<hbm>>
    tpu.wait_indirect_dma semaphore(%arg11 : memref<!tpu.dma_semaphore, #tpu.memory_space<semaphore_mem>>) src(%dma_wait3A_376 : memref<1000000x32xf32, #tpu.memory_space<hbm>>) dst(%arg7 : memref<1600x32xf32, #tpu.memory_space<vmem>>)
    %add3A_377 = arith.constant 22400 : i32
    %add3A_378 = arith.addi %mul3A_2, %add3A_377 : i32
    %dma_start3A_379 = arith.constant 0 : i32
    %dma_start3A_380 = tpu.memref_slice %arg4[%add3A_378, %dma_start3A_379] : memref<819200x32xf32, #tpu.memory_space<hbm>> -> memref<1600x32xf32, #tpu.memory_space<hbm>>
    %dma_start3A_381 = arith.constant 0 : i32
    %dma_start3A_382 = tpu.memref_slice %arg4[%add3A_378, %dma_start3A_381] : memref<819200x32xf32, #tpu.memory_space<hbm>> -> memref<1600x32xf32, #tpu.memory_space<hbm>>
    tpu.enqueue_dma source(%arg7 : memref<1600x32xf32, #tpu.memory_space<vmem>>) target(%dma_start3A_382 : memref<1600x32xf32, #tpu.memory_space<hbm>>) target_semaphore(%arg13 : memref<!tpu.dma_semaphore, #tpu.memory_space<semaphore_mem>>)
    %add3A_383 = arith.constant 24000 : i32
    %add3A_384 = arith.addi %mul3A_2, %add3A_383 : i32
    %dma_wait3A_385 = tpu.memref_slice %arg2[%add3A_384] : memref<819200xi32, #tpu.memory_space<hbm>> -> memref<1600xi32, #tpu.memory_space<hbm>>
    %dma_wait3A_386 = tpu.memref_slice %arg2[%add3A_384] : memref<819200xi32, #tpu.memory_space<hbm>> -> memref<1600xi32, #tpu.memory_space<hbm>>
    tpu.wait_dma2 semaphore(%arg10 : memref<!tpu.dma_semaphore, #tpu.memory_space<semaphore_mem>>) src(%dma_wait3A_386 : memref<1600xi32, #tpu.memory_space<hbm>>) dst(%arg6 : memref<1600xi32, #tpu.memory_space<vmem>>)
    %add3A_387 = arith.constant 20800 : i32
    %add3A_388 = arith.addi %mul3A_2, %add3A_387 : i32
    %dma_wait3A_389 = arith.constant 0 : i32
    %dma_wait3A_390 = tpu.memref_slice %arg4[%add3A_388, %dma_wait3A_389] : memref<819200x32xf32, #tpu.memory_space<hbm>> -> memref<1600x32xf32, #tpu.memory_space<hbm>>
    %dma_wait3A_391 = arith.constant 0 : i32
    %dma_wait3A_392 = tpu.memref_slice %arg4[%add3A_388, %dma_wait3A_391] : memref<819200x32xf32, #tpu.memory_space<hbm>> -> memref<1600x32xf32, #tpu.memory_space<hbm>>
    tpu.wait_dma2 semaphore(%arg14 : memref<!tpu.dma_semaphore, #tpu.memory_space<semaphore_mem>>) src(%arg8 : memref<1600x32xf32, #tpu.memory_space<vmem>>) dst(%dma_wait3A_392 : memref<1600x32xf32, #tpu.memory_space<hbm>>)
    %dma_start3A_393 = arith.constant 0 : i32
    %dma_start3A_394 = arith.constant 0 : i32
    %dma_start3A_395 = tpu.memref_slice %arg3[%dma_start3A_393, %dma_start3A_394] : memref<1000000x32xf32, #tpu.memory_space<hbm>> -> memref<1000000x32xf32, #tpu.memory_space<hbm>>
    tpu.enqueue_indirect_dma source(%dma_start3A_395 : memref<1000000x32xf32, #tpu.memory_space<hbm>>) target(%arg8 : memref<1600x32xf32, #tpu.memory_space<vmem>>) offsets(%arg6 : memref<1600xi32, #tpu.memory_space<vmem>>) semaphore(%arg12 : memref<!tpu.dma_semaphore, #tpu.memory_space<semaphore_mem>>)
    %dma_wait3A_396 = arith.constant 0 : i32
    %dma_wait3A_397 = arith.constant 0 : i32
    %dma_wait3A_398 = tpu.memref_slice %arg3[%dma_wait3A_396, %dma_wait3A_397] : memref<1000000x32xf32, #tpu.memory_space<hbm>> -> memref<1000000x32xf32, #tpu.memory_space<hbm>>
    tpu.wait_indirect_dma semaphore(%arg12 : memref<!tpu.dma_semaphore, #tpu.memory_space<semaphore_mem>>) src(%dma_wait3A_398 : memref<1000000x32xf32, #tpu.memory_space<hbm>>) dst(%arg8 : memref<1600x32xf32, #tpu.memory_space<vmem>>)
    %add3A_399 = arith.constant 24000 : i32
    %add3A_400 = arith.addi %mul3A_2, %add3A_399 : i32
    %dma_start3A_401 = arith.constant 0 : i32
    %dma_start3A_402 = tpu.memref_slice %arg4[%add3A_400, %dma_start3A_401] : memref<819200x32xf32, #tpu.memory_space<hbm>> -> memref<1600x32xf32, #tpu.memory_space<hbm>>
    %dma_start3A_403 = arith.constant 0 : i32
    %dma_start3A_404 = tpu.memref_slice %arg4[%add3A_400, %dma_start3A_403] : memref<819200x32xf32, #tpu.memory_space<hbm>> -> memref<1600x32xf32, #tpu.memory_space<hbm>>
    tpu.enqueue_dma source(%arg8 : memref<1600x32xf32, #tpu.memory_space<vmem>>) target(%dma_start3A_404 : memref<1600x32xf32, #tpu.memory_space<hbm>>) target_semaphore(%arg14 : memref<!tpu.dma_semaphore, #tpu.memory_space<semaphore_mem>>)
    %add3A_405 = arith.constant 22400 : i32
    %add3A_406 = arith.addi %mul3A_2, %add3A_405 : i32
    %dma_wait3A_407 = arith.constant 0 : i32
    %dma_wait3A_408 = tpu.memref_slice %arg4[%add3A_406, %dma_wait3A_407] : memref<819200x32xf32, #tpu.memory_space<hbm>> -> memref<1600x32xf32, #tpu.memory_space<hbm>>
    %dma_wait3A_409 = arith.constant 0 : i32
    %dma_wait3A_410 = tpu.memref_slice %arg4[%add3A_406, %dma_wait3A_409] : memref<819200x32xf32, #tpu.memory_space<hbm>> -> memref<1600x32xf32, #tpu.memory_space<hbm>>
    tpu.wait_dma2 semaphore(%arg13 : memref<!tpu.dma_semaphore, #tpu.memory_space<semaphore_mem>>) src(%arg7 : memref<1600x32xf32, #tpu.memory_space<vmem>>) dst(%dma_wait3A_410 : memref<1600x32xf32, #tpu.memory_space<hbm>>)
    %add3A_411 = arith.constant 24000 : i32
    %add3A_412 = arith.addi %mul3A_2, %add3A_411 : i32
    %dma_wait3A_413 = arith.constant 0 : i32
    %dma_wait3A_414 = tpu.memref_slice %arg4[%add3A_412, %dma_wait3A_413] : memref<819200x32xf32, #tpu.memory_space<hbm>> -> memref<1600x32xf32, #tpu.memory_space<hbm>>
    %dma_wait3A_415 = arith.constant 0 : i32
    %dma_wait3A_416 = tpu.memref_slice %arg4[%add3A_412, %dma_wait3A_415] : memref<819200x32xf32, #tpu.memory_space<hbm>> -> memref<1600x32xf32, #tpu.memory_space<hbm>>
    tpu.wait_dma2 semaphore(%arg14 : memref<!tpu.dma_semaphore, #tpu.memory_space<semaphore_mem>>) src(%arg8 : memref<1600x32xf32, #tpu.memory_space<vmem>>) dst(%dma_wait3A_416 : memref<1600x32xf32, #tpu.memory_space<hbm>>)
    return
  }
}

module attributes {stable_mosaic.version = 14 : i64} {
  func.func @_wt_body(%arg0: i32, %arg1: memref<32x16384xf32, #tpu.memory_space<vmem>>, %arg2: memref<512x8x128xf32, #tpu.memory_space<vmem>>) attributes {dimension_semantics = [#tpu.dimension_semantics<arbitrary>], iteration_bounds = array<i64: 62>, scalar_prefetch = 0 : i64, scratch_operands = 0 : i64, tpu.core_type = #tpu.core_type<tc>, window_params = [{transform_indices = @transform_0, window_bounds = array<i64: 32, 16384>}, {transform_indices = @transform_1, window_bounds = array<i64: 512, 8, 128>}]} {
    %get3A = arith.constant 0 : index
    %get3A_0 = arith.constant 0 : index
    %get3A_1 = vector.load %arg1[%get3A, %get3A_0] : memref<32x16384xf32, #tpu.memory_space<vmem>>, vector<32x16384xf32>
    %transpose3A = tpu.transpose %get3A_1, [1, 0] : vector<32x16384xf32> -> vector<16384x32xf32>
    %reshape3A = vector.shape_cast %transpose3A : vector<16384x32xf32> to vector<512x8x4x32xf32>
    %slice3A = vector.extract_strided_slice %reshape3A {offsets = [0, 0, 0, 0], sizes = [512, 8, 1, 32], strides = [1, 1, 1, 1]} : vector<512x8x4x32xf32> to vector<512x8x1x32xf32>
    %squeeze3A = vector.shape_cast %slice3A : vector<512x8x1x32xf32> to vector<512x8x32xf32>
    %slice3A_2 = vector.extract_strided_slice %reshape3A {offsets = [0, 0, 1, 0], sizes = [512, 8, 1, 32], strides = [1, 1, 1, 1]} : vector<512x8x4x32xf32> to vector<512x8x1x32xf32>
    %squeeze3A_3 = vector.shape_cast %slice3A_2 : vector<512x8x1x32xf32> to vector<512x8x32xf32>
    %slice3A_4 = vector.extract_strided_slice %reshape3A {offsets = [0, 0, 2, 0], sizes = [512, 8, 1, 32], strides = [1, 1, 1, 1]} : vector<512x8x4x32xf32> to vector<512x8x1x32xf32>
    %squeeze3A_5 = vector.shape_cast %slice3A_4 : vector<512x8x1x32xf32> to vector<512x8x32xf32>
    %slice3A_6 = vector.extract_strided_slice %reshape3A {offsets = [0, 0, 3, 0], sizes = [512, 8, 1, 32], strides = [1, 1, 1, 1]} : vector<512x8x4x32xf32> to vector<512x8x1x32xf32>
    %squeeze3A_7 = vector.shape_cast %slice3A_6 : vector<512x8x1x32xf32> to vector<512x8x32xf32>
    %concatenate3A = tpu.concatenate %squeeze3A, %squeeze3A_3, %squeeze3A_5, %squeeze3A_7 in 2 : vector<512x8x32xf32>, vector<512x8x32xf32>, vector<512x8x32xf32>, vector<512x8x32xf32> -> vector<512x8x128xf32>
    %swap3A = arith.constant 0 : index
    %swap3A_8 = arith.constant 0 : index
    %swap3A_9 = arith.constant 0 : index
    %swap3A_10 = vector.load %arg2[%swap3A, %swap3A_8, %swap3A_9] : memref<512x8x128xf32, #tpu.memory_space<vmem>>, vector<512x8x128xf32>
    tpu.vector_store %arg2[%swap3A, %swap3A_8, %swap3A_9], %concatenate3A {strides = array<i32>} : memref<512x8x128xf32, #tpu.memory_space<vmem>>, vector<512x8x128xf32>,
    return
  }
  func.func @transform_0(%arg0: i32) -> (i32, i32) {
    %c0_i32 = arith.constant 0 : i32
    %c0_i32_0 = arith.constant 0 : i32
    return %c0_i32, %arg0 : i32, i32
  }
  func.func @transform_1(%arg0: i32) -> (i32, i32, i32) {
    %c0_i32 = arith.constant 0 : i32
    %c0_i32_0 = arith.constant 0 : i32
    %c0_i32_1 = arith.constant 0 : i32
    return %arg0, %c0_i32, %c0_i32_0 : i32, i32, i32
  }
}

</mosaic_0001>

<sc_bundles>
// kernel: kernel.4.cloned.1.call-start
scs
__scs_entry_jumppad:
0x0: {  	(pc) =	sbr.rel $0x88, $3  }
0x1: {  	(tag) =	ssettag $0x0;
	lr =	simm.s32 $0x1  }
0x2: {  	[smem:$0x3F9F] =	sst lr;
	_ =	strace $0xD0000000  }
0x3: {  	_ = 	snop  }
0x4: {  	_ = 	snop  }
0x5: {  	_ = 	snop  }
0x6: {  	_ = 	snop  }
0x7: {  	_ = 	snop  }
__scs_overlays_trampoline_lowered:
0x8: {  	[smem:$0x3FAE] =	sst s0  }
0x9: {  	[smem:$0x3FAF] =	sst s1  }
0xa: {  	[smem:$0x3FB0] =	sst s2  }
0xb: {  	[smem:$0x3FB1] =	sst s3  }
0xc: {  	[smem:$0x3FB2] =	sst s4  }
0xd: {  	[smem:$0x3FB3] =	sst s5  }
0xe: {  	[smem:$0x3FB4] =	sst s6  }
0xf: {  	[smem:$0x3FB5] =	sst s7  }
0x10: {  	[smem:$0x3FB6] =	sst s8  }
0x11: {  	[smem:$0x3FB7] =	sst s9;
	s0 =	simm.s32 @!p0 $0x0  }
0x12: {  	s1 =	sld [smem:$0x3F9D];
	s0 =	simm.s32 @p0 $0x1  }
0x13: {  	[smem:$0x3FB8] =	sst s0;
	s0 =	simm.s32 @!p1 $0x0  }
0x14: {  	s2 =	sld [smem:$0x3F9C];
	s0 =	simm.s32 @p1 $0x1  }
0x15: {  	[smem:$0x3FB9] =	sst s0;
	s0 =	simm.s32 @!p2 $0x0  }
0x16: {  	s3 =	sld [smem:$0x3FDB];
	s0 =	simm.s32 @p2 $0x1  }
0x17: {  	s4 =	simm.s32 $0x1BF5;
	[smem:$0x3FBB] =	sst s0  }
0x18: {  	s0 =	sld [smem:$0x3F9E];
	_ =	swait.ge [sflag:s4], $0x0  }
0x19: {  	s7 =	sld [smem:$0x3F9F]  }
0x1a: {  	s8 =	sadd.s32 $0xFFFFE003, lr  }
0x1b: {  	s9 =	sadd.s32 $0xFFFFFEF7, lr;
	s5 =	simm.s32 $0xFFFFFFFF;
	p2 =	slt.u32 s8, $0xFFFFF086  }
0x1c: {  	p1 =	slt.u32 s9, $0xF7A;
	s5 =	simm.s32 @!p2 $0x0  }
0x1d: {  	s5 =	simm.s32 @p1 $0x1;
	p0 =	seq.s32 s7, s2  }
0x1e: {  	s7 =	smul.u32 @!p0 $0xF7A, s2;
	p2 =	seq.s32 @!p0 s5, $0x0  }
0x1f: {  	s9 =	smul.u32 $0xF7A, s1;
	s8 =	simm.s32 @!p0 $0x1BF5;
	p2 =	por !p2, p0  }
0x20: {  	[sflag:s8] =	ssyncset.s32 @!p0 $0xFFFFF086;
	s6 =	sadd.s32 @!p0 s3, s7;
	s7 =	simm.s32 @!p0 $0x108  }
0x21: {  	s3 =	sadd.s32 s3, s9;
	s6 =	sadd.s32 @!p0 $0x88, s6;
	s7 =	simm.s32 @p2 $0x1082  }
0x22: {  	[simem:s7], [sflag:s8] =	dma.local @!p0 [hbm:s6], $0xF7A  }
0x23: {  	s9 =	sor.u32 $0xD0000000, s2;
	s6 =	simm.s32 $0x108;
	_ =	swait.ge @!p0 [sflag:s8], $0x0  }
0x24: {  	s3 =	sadd.s32 $0x88, s3;
	s6 =	simm.s32 @!p1 $0x1082;
	[sflag:s4] =	ssyncset.s32 $0xFFFFF086  }
0x25: {  	[simem:s6], [sflag:s4] =	dma.local [hbm:s3], $0xF7A  }
0x26: {  	[smem:$0x3F9F] =	sst s1;
	(tag) =	ssettag s2;
	_ =	strace s9  }
0x27: {  	s1 =	sld [smem:$0x3FAF]  }
0x28: {  	s2 =	sld [smem:$0x3FB0]  }
0x29: {  	s4 =	sld [smem:$0x3FB2]  }
0x2a: {  	p0 =	seq.s32 s5, $0x0;
	s5 =	sld [smem:$0x3FB3]  }
0x2b: {  	s6 =	sld [smem:$0x3FB4]  }
0x2c: {  	s7 =	sld [smem:$0x3FB5]  }
0x2d: {  	s3 =	simm.s32 $0x108;
	s8 =	sld [smem:$0x3FB6]  }
0x2e: {  	s3 =	simm.s32 @!p0 $0x1082;
	s9 =	sld [smem:$0x3FB7]  }
0x2f: {  	lr =	sadd.s32 s0, s3;
	s0 =	sld [smem:$0x3FAE]  }
0x30: {  	s3 =	sld [smem:$0x3FB1]  }
0x31: {  	[smem:$0x3FBA] =	sst s10  }
0x32: {  	s10 =	sld [smem:$0x3FB8];
	_ =	sdelay $0x3  }
0x33: {  	p0 =	seq.s32 s10, $0x1;
	s10 =	sld [smem:$0x3FBA];
	_ =	sdelay $0x3  }
0x34: {  	[smem:$0x3FBA] =	sst s10  }
0x35: {  	s10 =	sld [smem:$0x3FB9];
	_ =	sdelay $0x3  }
0x36: {  	p1 =	seq.s32 s10, $0x1;
	s10 =	sld [smem:$0x3FBA];
	_ =	sdelay $0x3  }
0x37: {  	[smem:$0x3FBA] =	sst s10  }
0x38: {  	s10 =	sld [smem:$0x3FBB]  }
0x39: {  	_ = 	snop;
	(pc) =	sbr.ind lr, $3  }
0x3a: {  	_ = 	snop  }
0x3b: {  	_ = 	snop  }
0x3c: {  	p2 =	seq.s32 s10, $0x1;
	s10 =	sld [smem:$0x3FBA]  }
0x3d: {  	_ =	shalt  }
0x3e: {  	_ =	shalt  }
0x3f: {  	_ =	shalt  }
0x40: {  	_ =	shalt  }
0x41: {  	_ =	shalt  }
0x42: {  	_ =	shalt  }
0x43: {  	_ =	shalt  }
0x44: {  	_ =	shalt  }
0x45: {  	_ =	shalt  }
0x46: {  	_ =	shalt  }
0x47: {  	_ =	shalt  }
0x48: {  	_ =	shalt  }
0x49: {  	_ =	shalt  }
0x4a: {  	_ =	shalt  }
0x4b: {  	_ =	shalt  }
0x4c: {  	_ =	shalt  }
0x4d: {  	_ =	shalt  }
0x4e: {  	_ =	shalt  }
0x4f: {  	_ =	shalt  }
0x50: {  	_ =	shalt  }
0x51: {  	_ =	shalt  }
0x52: {  	_ =	shalt  }
0x53: {  	_ =	shalt  }
0x54: {  	_ =	shalt  }
0x55: {  	_ =	shalt  }
0x56: {  	_ =	shalt  }
0x57: {  	_ =	shalt  }
0x58: {  	_ =	shalt  }
0x59: {  	_ =	shalt  }
0x5a: {  	_ =	shalt  }
0x5b: {  	_ =	shalt  }
0x5c: {  	_ =	shalt  }
0x5d: {  	_ =	shalt  }
0x5e: {  	_ =	shalt  }
0x5f: {  	_ =	shalt  }
0x60: {  	_ =	shalt  }
0x61: {  	_ =	shalt  }
0x62: {  	_ =	shalt  }
0x63: {  	_ =	shalt  }
0x64: {  	_ =	shalt  }
0x65: {  	_ =	shalt  }
0x66: {  	_ =	shalt  }
0x67: {  	_ =	shalt  }
0x68: {  	_ =	shalt  }
0x69: {  	_ =	shalt  }
0x6a: {  	_ =	shalt  }
0x6b: {  	_ =	shalt  }
0x6c: {  	_ =	shalt  }
0x6d: {  	_ =	shalt  }
0x6e: {  	_ =	shalt  }
0x6f: {  	_ =	shalt  }
0x70: {  	_ =	shalt  }
0x71: {  	_ =	shalt  }
0x72: {  	_ =	shalt  }
0x73: {  	_ =	shalt  }
0x74: {  	_ =	shalt  }
0x75: {  	_ =	shalt  }
0x76: {  	_ =	shalt  }
0x77: {  	_ =	shalt  }
0x78: {  	_ =	shalt  }
0x79: {  	_ =	shalt  }
0x7a: {  	_ =	shalt  }
0x7b: {  	_ =	shalt  }
0x7c: {  	_ =	shalt  }
0x7d: {  	_ =	shalt  }
0x7e: {  	_ =	shalt  }
0x7f: {  	_ =	shalt  }
0x80: {  	_ =	shalt  }
0x81: {  	_ =	shalt  }
0x82: {  	_ =	shalt  }
0x83: {  	_ =	shalt  }
0x84: {  	_ =	shalt  }
0x85: {  	_ =	shalt  }
0x86: {  	_ =	shalt  }
0x87: {  	_ =	shalt  }
.Lfunc_end0:
.L_simem_size_0:
called_computation.1_lowered:
.L_overlay_start_0:
0x88: {  	s2 =	sld [smem:$0x3FD9]  }
0x89: {  	s3 =	sld [smem:$0x3FFE];
	_ =	sdelay $0x1  }
0x8a: {  	s1 =	srdreg.scid  }
0x8b: {  	s0 =	sand.u32 $0x1, s1  }
0x8c: {  	s17 =	sshll.u32 s0, $0xA;
	s2 =	sadd.s32 s3, s2  }
0x8d: {  	s2 =	sadd.s32 s2, s17  }
0x8e: {  	[smem:$0x3FC6] =	sst s2  }
0x8f: {  	_ = 	snop  }
0x90: {  	s2 =	sld [smem:$0x3FD0];
	(tm) =	ssettm $0x1  }
0x91: {  	s18 =	sld [smem:$0x3FFB];
	_ =	sdelay $0x3  }
0x92: {  	_ =	strace s18  }
0x93: {  	s3 =	sld [smem:$0x3FFC];
	_ =	sdelay $0x3  }
0x94: {  	_ =	strace s3  }
0x95: {  	s3 =	sld [smem:$0x3FFD];
	_ =	sdelay $0x3  }
0x96: {  	_ =	strace s3  }
0x97: {  	_ =	strace $0x8FFFFFFF  }
0x98: {  	s19 =	sld [smem:$0x3FDB];
	_ =	sdelay $0x1  }
0x99: {  	s4 =	simm.s32 $_scs_section_size  }
0x9a: {  	s5 =	simm.s32 $_size__tile_overlayer_lowered;
	s6 =	simm.s32 $_tile_overlayer_lowered  }
0x9b: {  	s22 =	simm.s32 $0x1BFF;
	s21 =	sshll.u32 s6, $0x1;
	s3 =	sadd.s32 s4, s19  }
0x9c: {  	s7 =	simm.s32 $0x0;
	s20 =	sshll.u32 s5, $0x1;
	s5 =	sadd.s32 s21, s3  }
0x9d: {  	[timem:s7], [sflag:s22] =	dma.local [hbm:s5], s20  }
0x9e: {  	_ =	swait.ge [sflag:s22], s20  }
0x9f: {  	s4 =	ssub.s32 $0x0, s20;
	[sflag:s22] =	ssyncset.done $0x0  }
0xa0: {  	[sflag:s22] =	ssyncadd.s32 s4;
	_ =	sdelay $0x1  }
0xa1: {  	s23 =	simm.s32 $0x1B8B  }
0xa2: {  	_ =	swait.ge [sflag:s23], $0x1  }
0xa3: {  	[sflag:s23] =	ssyncset.done $0x0  }
0xa4: {  	s25 =	simm.s32 $0x1B8E;
	s24 =	sld [smem:$0x3FFE];
	[sflag:s23] =	ssyncadd.s32 $0xFFFFFFFF  }
0xa5: {  	s26 =	simm.s32 $execute0_lowered;
	[smem:$0x3FD2] =	sst s25  }
0xa6: {  	s5 =	sshll.u32 s26, $0x1;
	_ =	strace $0x80000046;
	[dreg:$0x1] =	wrdreg $0xFFFFFFFF  }
0xa7: {  	s28 =	simm.s32 $_size_execute0_lowered;
	s3 =	sadd.s32 s3, s5;
	[dreg:$0x0] =	wrdreg $0x0  }
0xa8: {  	s5 =	sshll.u32 s28, $0x1;
	[dreg:$0x2] =	wrdreg s3  }
0xa9: {  	[dreg:$0x3] =	wrdreg s5  }
0xaa: {  	[dreg:$0x4] =	wrdreg $0xC0  }
0xab: {  	_ =	task [dreg:s7], $0x5FFFF  }
0xac: {  	[dreg:$0x1] =	wrdreg $0xFFFFFFFF  }
0xad: {  	[dreg:$0x0] =	wrdreg $0x60  }
0xae: {  	[dreg:$0x2] =	wrdreg s24  }
0xaf: {  	[dreg:$0x3] =	wrdreg s2  }
0xb0: {  	[dreg:$0x4] =	wrdreg $0x9  }
0xb1: {  	_ =	task.clear_ibuf [dreg:s7], $0x5FFFF;
	_ =	strace $0x90000046  }
0xb2: {  	s29 =	simm.s32 $0x9;
	_ =	strace $0x80000048  }
0xb3: {  	_ =	swait.ge [sflag:s29], $0x1  }
0xb4: {  	[sflag:s29] =	ssyncadd.s32 $0xFFFFFFFF  }
0xb5: {  	_ =	strace $0x90000048  }
0xb6: {  	_ =	sfence  }
0xb7: {  	s30 =	sld [smem:$0x0];
	_ =	sdelay $0x2  }
0xb8: {  	s31 =	sshll.u32 s1, $0xD;
	s1 =	sshrl.u32 s1, $0x2  }
0xb9: {  	s3 =	sand.u32 $0x4000, s31;
	s1 =	sadd.s32 s1, s30  }
0xba: {  	s0 =	sor.u32 s3, s0;
	s1 =	sshll.u32 s1, $0x11  }
0xbb: {  	s0 =	sor.u32 s1, s0  }
0xbc: {  	s0 =	sadd.s32 $0x8F2B, s0  }
0xbd: {  	[sflag:s0] =	ssyncadd.remote.s32 $0x1  }
0xbe: {  	_ =	sfence.sel $0xFFFF  }
0xbf: {  	[dreg:$0x0] =	wrdreg $0xFFFFFFFF;
	(pc) =	sbr.abs _section_cstart, $3  }
0xc0: {  	[dreg:$0x1] =	wrdreg $0xFFFFFFFF  }
0xc1: {  	_ =	task.clear_ibuf [dreg:s7], $0x2FFFF;
	_ =	strace $0x9FFFFFFF  }
0xc2: {  	(tm) =	ssettm $0x7FFFFFFF  }
0xc3: {  	_ =	shalt  }
tec
execute0_lowered:
.L_overlay_start_1:
0x0: {  	(tag) =	ssettag $0x1  }
0x1: {  	s0 =	srdreg.scid  }
0x2: {  	s1 =	stileid.u32;
	s3 =	rddreg [dreg:$0x0];
	s2 =	simm.s32 $0x0  }
0x3: {  	s31 =	simm.s32 $0x640;
	s0 =	sand.u32 $0x1, s0;
	s1 =	sshll.u32 s1, $0x1  }
0x4: {  	p0 =	por $0x0, $0x0;
	[smem:$0x7FF] =	sst s2;
	s6 =	sor.u32 s0, s1  }
0x5: {  	s4 =	sadd.s32 $0x800, s3;
	s3 =	sadd.s32 $0x19800, s3;
	s11 =	smul.u32 $0x6400, s6  }
0x6: {  	s1 =	rddreg [dreg:$0x1];
	_ =	strace $0x80000047;
	s6 =	smul.u32 $0x19000, s6  }
0x7: {  	s0 =	ssub.s32 $0x2, s0;
	s7 =	sshrl.u32 s11, $0x3;
	s8 =	sadd.s32 $0x640, s11  }
0x8: {  	s9 =	sadd.s32 $0xC80, s11;
	s22 =	sadd.s32 $0x12C0, s11;
	s6 =	sadd.s32 s1, s6  }
0x9: {  	s5 =	sadd.s32 $0x1900, s11;
	s14 =	sadd.s32 $0x1F40, s11;
	s7 =	sadd.s32 s4, s7  }
0xa: {  	s20 =	sshrl.u32 s8, $0x3;
	s10 =	sshrl.u32 s9, $0x3;
	[dreg:$0x6] =	wrdreg s6  }
0xb: {  	s23 =	sshrl.u32 s22, $0x3;
	[dreg:$0x3] =	wrdreg s7;
	s7 =	sadd.s32 s4, s20  }
0xc: {  	s25 =	sshll.u32 s8, $0x2;
	s21 =	sadd.s32 s4, s10;
	[dreg:$0x4] =	wrdreg s7  }
0xd: {  	s12 =	sshrl.u32 s5, $0x3;
	s24 =	sadd.s32 s4, s23;
	[dreg:$0x5] =	wrdreg s21  }
0xe: {  	s13 =	sshll.u32 s9, $0x2;
	s26 =	sadd.s32 s1, s25;
	[dreg:$0x7] =	wrdreg s24  }
0xf: {  	s16 =	sshrl.u32 s14, $0x3;
	s6 =	sadd.s32 s4, s12;
	[dreg:$0x8] =	wrdreg s26  }
0x10: {  	s18 =	sshll.u32 s22, $0x2;
	s15 =	sadd.s32 s1, s13;
	[dreg:$0x9] =	wrdreg s6  }
0x11: {  	s22 =	sadd.s32 $0x2BC0, s11;
	s17 =	sadd.s32 s4, s16;
	[dreg:$0xa] =	wrdreg s15  }
0x12: {  	s19 =	sadd.s32 s1, s18;
	s20 =	sadd.s32 $0x2580, s11;
	[dreg:$0xb] =	wrdreg s17  }
0x13: {  	s13 =	sadd.s32 $0x3200, s11;
	s18 =	sadd.s32 $0x3E80, s11;
	[dreg:$0xc] =	wrdreg s19  }
0x14: {  	s21 =	sshrl.u32 s20, $0x3;
	s7 =	sshll.u32 s5, $0x2;
	s24 =	sshrl.u32 s22, $0x3  }
0x15: {  	s26 =	sshll.u32 s14, $0x2;
	s5 =	sshrl.u32 s0, $0x1;
	s14 =	sshrl.u32 s13, $0x3  }
0x16: {  	s8 =	sshll.u32 s20, $0x2;
	s15 =	sadd.s32 $0x3840, s11;
	s17 =	sshll.u32 s22, $0x2  }
0x17: {  	s19 =	sshrl.u32 s18, $0x3;
	s20 =	sadd.s32 $0x44C0, s11;
	s6 =	sadd.s32 s4, s21  }
0x18: {  	s23 =	sadd.s32 s1, s7;
	s25 =	sadd.s32 s4, s24;
	s12 =	sadd.s32 s1, s26  }
0x19: {  	s0 =	ssub.s32 s0, s5;
	s30 =	sadd.s32 s4, s14;
	s5 =	sadd.s32 s1, s8  }
0x1a: {  	s16 =	sshrl.u32 s15, $0x3;
	s29 =	sadd.s32 s1, s17;
	[dreg:$0xd] =	wrdreg s6  }
0x1b: {  	s10 =	sshrl.u32 s20, $0x3;
	s9 =	sshll.u32 s15, $0x2;
	[dreg:$0xe] =	wrdreg s23  }
0x1c: {  	s14 =	sshll.u32 s18, $0x2;
	s8 =	sadd.s32 $0x5140, s11;
	[dreg:$0xf] =	wrdreg s25  }
0x1d: {  	[dreg:$0x10] =	wrdreg s12;
	s28 =	sadd.s32 s4, s16;
	s6 =	sshll.u32 s13, $0x2  }
0x1e: {  	s25 =	sadd.s32 s4, s19;
	s12 =	sadd.s32 $0x4B00, s11;
	s23 =	sadd.s32 s4, s10  }
0x1f: {  	s24 =	sadd.s32 s1, s9;
	s22 =	sadd.s32 s1, s14;
	s15 =	sshrl.u32 s8, $0x3  }
0x20: {  	s16 =	sadd.s32 $0x5780, s11;
	s0 =	smax.u32 s0, $0x1;
	s10 =	simm.s32 $0x4  }
0x21: {  	s26 =	sadd.s32 s1, s6;
	s13 =	sshrl.u32 s12, $0x3;
	s6 =	sshll.u32 s20, $0x2  }
0x22: {  	s19 =	sadd.s32 s4, s15;
	s9 =	sshrl.u32 s16, $0x3;
	s12 =	sshll.u32 s12, $0x2  }
0x23: {  	s15 =	sshll.u32 s8, $0x2;
	p1 =	sne.s32 s0, $0x1;
	s8 =	simm.s32 $0x5  }
0x24: {  	s21 =	sadd.s32 s4, s13;
	s20 =	sadd.s32 s1, s6;
	s13 =	sadd.s32 $0x5DC0, s11  }
0x25: {  	s17 =	sadd.s32 s4, s9;
	s18 =	sadd.s32 s1, s12;
	s6 =	sshll.u32 s16, $0x2  }
.Ltmp0:
0x26: {  	s11 =	simm.s32 $0xC80;
	s9 =	simm.s32 $0xD480;
	(pc) =	sbr.rel @!p1 .LBB2_3-.Ltmp0, $4  }
0x27: {  	s14 =	sshrl.u32 s13, $0x3;
	s12 =	sadd.s32 s1, s6;
	s16 =	sshll.u32 s13, $0x2  }
0x28: {  	s13 =	simm.s32 $0x2;
	s6 =	simm.s32 $0x6;
	s7 =	sadd.s32 s4, s14  }
0x29: {  	s14 =	sadd.s32 s1, s15;
	s4 =	sadd.s32 s1, s16;
	s16 =	simm.s32 $0x1  }
0x2a: {  	s1 =	sadd.s32 $0xFFFFFFFF, s0;
	s15 =	simm.s32 $0x3;
	s0 =	rddreg [dreg:$0x3]  }
0x2b: {  	[dreg:$0x12] =	wrdreg s1  }
0x2c: {  	[tilespmem:s2], [sflag:$0x1] =	stream.linear.gather [hbm4b:s0+s2], $0x640, $0x38;
	[tilespmem:$0x19C80] =	vst v63  }
0x2d: {  	s1 =	rddreg [dreg:$0x4]  }
0x2e: {  	[tilespmem:s31], [sflag:$0x2] =	stream.linear.gather [hbm4b:s1+s2], $0x640, $0x38;
	[tilespmem:$0x19C80] =	vst v63  }
0x2f: {  	_ =	swait.ge [sflag:s16], $0x640  }
0x30: {  	[sflag:s16] =	ssyncset.done $0x0  }
0x31: {  	[sflag:s16] =	ssyncadd.s32 $0xFFFFF9C0  }
0x32: {  	[tilespmem:s11], [sflag:$0x3] =	stream.indirect.gather [hbm4b:s3+s31], $0x20, s2, s31, $0xb8;
	[tilespmem:$0x19C80] =	vst v63  }
0x33: {  	_ =	swait.ge [sflag:s15], $0xC800  }
0x34: {  	[sflag:s15] =	ssyncset.done $0x0  }
0x35: {  	s0 =	rddreg [dreg:$0x5];
	[sflag:s15] =	ssyncadd.s32 $0xFFFF3800  }
0x36: {  	[tilespmem:s2], [sflag:$0x1] =	stream.linear.gather [hbm4b:s0+s2], $0x640, $0x38;
	[tilespmem:$0x19C80] =	vst v63  }
0x37: {  	s1 =	rddreg [dreg:$0x6]  }
0x38: {  	[hbm4b:s1+s2] =	stream.linear.scatter [tilespmem:s11], [sflag:$0x5], $0xC800, $0x38;
	[tilespmem:$0x19C80] =	vst v63  }
0x39: {  	_ =	swait.ge [sflag:s13], $0x640  }
0x3a: {  	[sflag:s13] =	ssyncset.done $0x0  }
0x3b: {  	[sflag:s13] =	ssyncadd.s32 $0xFFFFF9C0  }
0x3c: {  	[tilespmem:s9], [sflag:$0x4] =	stream.indirect.gather [hbm4b:s3+s31], $0x20, s31, s31, $0xb8;
	[tilespmem:$0x19C80] =	vst v63  }
0x3d: {  	_ =	swait.ge [sflag:s10], $0xC800  }
0x3e: {  	[sflag:s10] =	ssyncset.done $0x0  }
0x3f: {  	s0 =	rddreg [dreg:$0x7];
	[sflag:s10] =	ssyncadd.s32 $0xFFFF3800  }
0x40: {  	[tilespmem:s31], [sflag:$0x2] =	stream.linear.gather [hbm4b:s0+s2], $0x640, $0x38;
	[tilespmem:$0x19C80] =	vst v63  }
0x41: {  	s1 =	rddreg [dreg:$0x8]  }
0x42: {  	[hbm4b:s1+s2] =	stream.linear.scatter [tilespmem:s9], [sflag:$0x6], $0xC800, $0x38;
	[tilespmem:$0x19C80] =	vst v63  }
0x43: {  	_ =	swait.ge [sflag:s16], $0x640  }
0x44: {  	[sflag:s16] =	ssyncset.done $0x0  }
0x45: {  	[sflag:s16] =	ssyncadd.s32 $0xFFFFF9C0  }
0x46: {  	_ =	swait.ge [sflag:s8], $0xC800  }
0x47: {  	[sflag:s8] =	ssyncset.done $0x0  }
0x48: {  	[sflag:s8] =	ssyncadd.s32 $0xFFFF3800  }
0x49: {  	[tilespmem:s11], [sflag:$0x3] =	stream.indirect.gather [hbm4b:s3+s31], $0x20, s2, s31, $0xb8;
	[tilespmem:$0x19C80] =	vst v63  }
0x4a: {  	_ =	swait.ge [sflag:s15], $0xC800  }
0x4b: {  	[sflag:s15] =	ssyncset.done $0x0  }
0x4c: {  	s0 =	rddreg [dreg:$0x9];
	[sflag:s15] =	ssyncadd.s32 $0xFFFF3800  }
0x4d: {  	[tilespmem:s2], [sflag:$0x1] =	stream.linear.gather [hbm4b:s0+s2], $0x640, $0x38;
	[tilespmem:$0x19C80] =	vst v63  }
0x4e: {  	s1 =	rddreg [dreg:$0xa]  }
0x4f: {  	[hbm4b:s1+s2] =	stream.linear.scatter [tilespmem:s11], [sflag:$0x5], $0xC800, $0x38;
	[tilespmem:$0x19C80] =	vst v63  }
0x50: {  	_ =	swait.ge [sflag:s13], $0x640  }
0x51: {  	[sflag:s13] =	ssyncset.done $0x0  }
0x52: {  	[sflag:s13] =	ssyncadd.s32 $0xFFFFF9C0  }
0x53: {  	_ =	swait.ge [sflag:s6], $0xC800  }
0x54: {  	[sflag:s6] =	ssyncset.done $0x0  }
0x55: {  	[sflag:s6] =	ssyncadd.s32 $0xFFFF3800  }
0x56: {  	[tilespmem:s9], [sflag:$0x4] =	stream.indirect.gather [hbm4b:s3+s31], $0x20, s31, s31, $0xb8;
	[tilespmem:$0x19C80] =	vst v63  }
0x57: {  	_ =	swait.ge [sflag:s10], $0xC800  }
0x58: {  	[sflag:s10] =	ssyncset.done $0x0  }
0x59: {  	s0 =	rddreg [dreg:$0xb];
	[sflag:s10] =	ssyncadd.s32 $0xFFFF3800  }
0x5a: {  	[tilespmem:s31], [sflag:$0x2] =	stream.linear.gather [hbm4b:s0+s2], $0x640, $0x38;
	[tilespmem:$0x19C80] =	vst v63  }
0x5b: {  	s1 =	rddreg [dreg:$0xc]  }
0x5c: {  	[hbm4b:s1+s2] =	stream.linear.scatter [tilespmem:s9], [sflag:$0x6], $0xC800, $0x38;
	[tilespmem:$0x19C80] =	vst v63  }
0x5d: {  	_ =	swait.ge [sflag:s16], $0x640  }
0x5e: {  	[sflag:s16] =	ssyncset.done $0x0  }
0x5f: {  	[sflag:s16] =	ssyncadd.s32 $0xFFFFF9C0  }
0x60: {  	_ =	swait.ge [sflag:s8], $0xC800  }
0x61: {  	[sflag:s8] =	ssyncset.done $0x0  }
0x62: {  	[sflag:s8] =	ssyncadd.s32 $0xFFFF3800  }
0x63: {  	[tilespmem:s11], [sflag:$0x3] =	stream.indirect.gather [hbm4b:s3+s31], $0x20, s2, s31, $0xb8;
	[tilespmem:$0x19C80] =	vst v63  }
0x64: {  	_ =	swait.ge [sflag:s15], $0xC800  }
0x65: {  	[sflag:s15] =	ssyncset.done $0x0  }
0x66: {  	s0 =	rddreg [dreg:$0xd];
	[sflag:s15] =	ssyncadd.s32 $0xFFFF3800  }
0x67: {  	[tilespmem:s2], [sflag:$0x1] =	stream.linear.gather [hbm4b:s0+s2], $0x640, $0x38;
	[tilespmem:$0x19C80] =	vst v63  }
0x68: {  	s1 =	rddreg [dreg:$0xe]  }
0x69: {  	[hbm4b:s1+s2] =	stream.linear.scatter [tilespmem:s11], [sflag:$0x5], $0xC800, $0x38;
	[tilespmem:$0x19C80] =	vst v63  }
0x6a: {  	_ =	swait.ge [sflag:s13], $0x640  }
0x6b: {  	[sflag:s13] =	ssyncset.done $0x0  }
0x6c: {  	[sflag:s13] =	ssyncadd.s32 $0xFFFFF9C0  }
0x6d: {  	_ =	swait.ge [sflag:s6], $0xC800  }
0x6e: {  	[sflag:s6] =	ssyncset.done $0x0  }
0x6f: {  	[sflag:s6] =	ssyncadd.s32 $0xFFFF3800  }
0x70: {  	[tilespmem:s9], [sflag:$0x4] =	stream.indirect.gather [hbm4b:s3+s31], $0x20, s31, s31, $0xb8;
	[tilespmem:$0x19C80] =	vst v63  }
0x71: {  	_ =	swait.ge [sflag:s10], $0xC800  }
0x72: {  	[sflag:s10] =	ssyncset.done $0x0  }
0x73: {  	s0 =	rddreg [dreg:$0xf];
	[sflag:s10] =	ssyncadd.s32 $0xFFFF3800  }
0x74: {  	[tilespmem:s31], [sflag:$0x2] =	stream.linear.gather [hbm4b:s0+s2], $0x640, $0x38;
	[tilespmem:$0x19C80] =	vst v63  }
0x75: {  	s1 =	rddreg [dreg:$0x10]  }
0x76: {  	[hbm4b:s1+s2] =	stream.linear.scatter [tilespmem:s9], [sflag:$0x6], $0xC800, $0x38;
	[tilespmem:$0x19C80] =	vst v63  }
0x77: {  	_ =	swait.ge [sflag:s16], $0x640  }
0x78: {  	[sflag:s16] =	ssyncset.done $0x0  }
0x79: {  	[sflag:s16] =	ssyncadd.s32 $0xFFFFF9C0  }
0x7a: {  	_ =	swait.ge [sflag:s8], $0xC800  }
0x7b: {  	[sflag:s8] =	ssyncset.done $0x0  }
0x7c: {  	[sflag:s8] =	ssyncadd.s32 $0xFFFF3800  }
0x7d: {  	[tilespmem:s11], [sflag:$0x3] =	stream.indirect.gather [hbm4b:s3+s31], $0x20, s2, s31, $0xb8;
	[tilespmem:$0x19C80] =	vst v63  }
0x7e: {  	_ =	swait.ge [sflag:s15], $0xC800  }
0x7f: {  	[sflag:s15] =	ssyncset.done $0x0  }
0x80: {  	[sflag:s15] =	ssyncadd.s32 $0xFFFF3800  }
0x81: {  	[tilespmem:s2], [sflag:$0x1] =	stream.linear.gather [hbm4b:s30+s2], $0x640, $0x38;
	[tilespmem:$0x19C80] =	vst v63  }
0x82: {  	_ = 	snop  }
0x83: {  	[hbm4b:s5+s2] =	stream.linear.scatter [tilespmem:s11], [sflag:$0x5], $0xC800, $0x38;
	[tilespmem:$0x19C80] =	vst v63  }
0x84: {  	_ =	swait.ge [sflag:s13], $0x640  }
0x85: {  	[sflag:s13] =	ssyncset.done $0x0  }
0x86: {  	[sflag:s13] =	ssyncadd.s32 $0xFFFFF9C0  }
0x87: {  	_ =	swait.ge [sflag:s6], $0xC800  }
0x88: {  	[sflag:s6] =	ssyncset.done $0x0  }
0x89: {  	[sflag:s6] =	ssyncadd.s32 $0xFFFF3800  }
0x8a: {  	[tilespmem:s9], [sflag:$0x4] =	stream.indirect.gather [hbm4b:s3+s31], $0x20, s31, s31, $0xb8;
	[tilespmem:$0x19C80] =	vst v63  }
0x8b: {  	_ =	swait.ge [sflag:s10], $0xC800  }
0x8c: {  	[sflag:s10] =	ssyncset.done $0x0  }
0x8d: {  	[sflag:s10] =	ssyncadd.s32 $0xFFFF3800  }
0x8e: {  	[tilespmem:s31], [sflag:$0x2] =	stream.linear.gather [hbm4b:s28+s2], $0x640, $0x38;
	[tilespmem:$0x19C80] =	vst v63  }
0x8f: {  	_ = 	snop  }
0x90: {  	[hbm4b:s29+s2] =	stream.linear.scatter [tilespmem:s9], [sflag:$0x6], $0xC800, $0x38;
	[tilespmem:$0x19C80] =	vst v63  }
0x91: {  	_ =	swait.ge [sflag:s16], $0x640  }
0x92: {  	[sflag:s16] =	ssyncset.done $0x0  }
0x93: {  	[sflag:s16] =	ssyncadd.s32 $0xFFFFF9C0  }
0x94: {  	_ =	swait.ge [sflag:s8], $0xC800  }
0x95: {  	[sflag:s8] =	ssyncset.done $0x0  }
0x96: {  	[sflag:s8] =	ssyncadd.s32 $0xFFFF3800  }
0x97: {  	[tilespmem:s11], [sflag:$0x3] =	stream.indirect.gather [hbm4b:s3+s31], $0x20, s2, s31, $0xb8;
	[tilespmem:$0x19C80] =	vst v63  }
0x98: {  	_ =	swait.ge [sflag:s15], $0xC800  }
0x99: {  	[sflag:s15] =	ssyncset.done $0x0  }
0x9a: {  	[sflag:s15] =	ssyncadd.s32 $0xFFFF3800  }
0x9b: {  	[tilespmem:s2], [sflag:$0x1] =	stream.linear.gather [hbm4b:s25+s2], $0x640, $0x38;
	[tilespmem:$0x19C80] =	vst v63  }
0x9c: {  	_ = 	snop  }
0x9d: {  	[hbm4b:s26+s2] =	stream.linear.scatter [tilespmem:s11], [sflag:$0x5], $0xC800, $0x38;
	[tilespmem:$0x19C80] =	vst v63  }
0x9e: {  	_ =	swait.ge [sflag:s13], $0x640  }
0x9f: {  	[sflag:s13] =	ssyncset.done $0x0  }
0xa0: {  	[sflag:s13] =	ssyncadd.s32 $0xFFFFF9C0  }
0xa1: {  	_ =	swait.ge [sflag:s6], $0xC800  }
0xa2: {  	[sflag:s6] =	ssyncset.done $0x0  }
0xa3: {  	[sflag:s6] =	ssyncadd.s32 $0xFFFF3800  }
0xa4: {  	[tilespmem:s9], [sflag:$0x4] =	stream.indirect.gather [hbm4b:s3+s31], $0x20, s31, s31, $0xb8;
	[tilespmem:$0x19C80] =	vst v63  }
0xa5: {  	_ =	swait.ge [sflag:s10], $0xC800  }
0xa6: {  	[sflag:s10] =	ssyncset.done $0x0  }
0xa7: {  	[sflag:s10] =	ssyncadd.s32 $0xFFFF3800  }
0xa8: {  	[tilespmem:s31], [sflag:$0x2] =	stream.linear.gather [hbm4b:s23+s2], $0x640, $0x38;
	[tilespmem:$0x19C80] =	vst v63  }
0xa9: {  	_ = 	snop  }
0xaa: {  	[hbm4b:s24+s2] =	stream.linear.scatter [tilespmem:s9], [sflag:$0x6], $0xC800, $0x38;
	[tilespmem:$0x19C80] =	vst v63  }
0xab: {  	_ =	swait.ge [sflag:s16], $0x640  }
0xac: {  	[sflag:s16] =	ssyncset.done $0x0  }
0xad: {  	[sflag:s16] =	ssyncadd.s32 $0xFFFFF9C0  }
0xae: {  	_ =	swait.ge [sflag:s8], $0xC800  }
0xaf: {  	[sflag:s8] =	ssyncset.done $0x0  }
0xb0: {  	[sflag:s8] =	ssyncadd.s32 $0xFFFF3800  }
0xb1: {  	[tilespmem:s11], [sflag:$0x3] =	stream.indirect.gather [hbm4b:s3+s31], $0x20, s2, s31, $0xb8;
	[tilespmem:$0x19C80] =	vst v63  }
0xb2: {  	_ =	swait.ge [sflag:s15], $0xC800  }
0xb3: {  	[sflag:s15] =	ssyncset.done $0x0  }
0xb4: {  	[sflag:s15] =	ssyncadd.s32 $0xFFFF3800  }
0xb5: {  	[tilespmem:s2], [sflag:$0x1] =	stream.linear.gather [hbm4b:s21+s2], $0x640, $0x38;
	[tilespmem:$0x19C80] =	vst v63  }
0xb6: {  	_ = 	snop  }
0xb7: {  	[hbm4b:s22+s2] =	stream.linear.scatter [tilespmem:s11], [sflag:$0x5], $0xC800, $0x38;
	[tilespmem:$0x19C80] =	vst v63  }
0xb8: {  	_ =	swait.ge [sflag:s13], $0x640  }
0xb9: {  	[sflag:s13] =	ssyncset.done $0x0  }
0xba: {  	[sflag:s13] =	ssyncadd.s32 $0xFFFFF9C0  }
0xbb: {  	_ =	swait.ge [sflag:s6], $0xC800  }
0xbc: {  	[sflag:s6] =	ssyncset.done $0x0  }
0xbd: {  	[sflag:s6] =	ssyncadd.s32 $0xFFFF3800  }
0xbe: {  	[tilespmem:s9], [sflag:$0x4] =	stream.indirect.gather [hbm4b:s3+s31], $0x20, s31, s31, $0xb8;
	[tilespmem:$0x19C80] =	vst v63  }
0xbf: {  	_ =	swait.ge [sflag:s10], $0xC800  }
0xc0: {  	[sflag:s10] =	ssyncset.done $0x0  }
0xc1: {  	[sflag:s10] =	ssyncadd.s32 $0xFFFF3800  }
0xc2: {  	[tilespmem:s31], [sflag:$0x2] =	stream.linear.gather [hbm4b:s19+s2], $0x640, $0x38;
	[tilespmem:$0x19C80] =	vst v63  }
0xc3: {  	_ = 	snop  }
0xc4: {  	[hbm4b:s20+s2] =	stream.linear.scatter [tilespmem:s9], [sflag:$0x6], $0xC800, $0x38;
	[tilespmem:$0x19C80] =	vst v63  }
0xc5: {  	_ =	swait.ge [sflag:s16], $0x640  }
0xc6: {  	[sflag:s16] =	ssyncset.done $0x0  }
0xc7: {  	[sflag:s16] =	ssyncadd.s32 $0xFFFFF9C0  }
0xc8: {  	_ =	swait.ge [sflag:s8], $0xC800  }
0xc9: {  	[sflag:s8] =	ssyncset.done $0x0  }
0xca: {  	[sflag:s8] =	ssyncadd.s32 $0xFFFF3800  }
0xcb: {  	[tilespmem:s11], [sflag:$0x3] =	stream.indirect.gather [hbm4b:s3+s31], $0x20, s2, s31, $0xb8;
	[tilespmem:$0x19C80] =	vst v63  }
0xcc: {  	_ =	swait.ge [sflag:s15], $0xC800  }
0xcd: {  	[sflag:s15] =	ssyncset.done $0x0  }
0xce: {  	[sflag:s15] =	ssyncadd.s32 $0xFFFF3800  }
0xcf: {  	[tilespmem:s2], [sflag:$0x1] =	stream.linear.gather [hbm4b:s17+s2], $0x640, $0x38;
	[tilespmem:$0x19C80] =	vst v63  }
0xd0: {  	_ = 	snop  }
0xd1: {  	[hbm4b:s18+s2] =	stream.linear.scatter [tilespmem:s11], [sflag:$0x5], $0xC800, $0x38;
	[tilespmem:$0x19C80] =	vst v63  }
0xd2: {  	_ =	swait.ge [sflag:s13], $0x640  }
0xd3: {  	[sflag:s13] =	ssyncset.done $0x0  }
0xd4: {  	[sflag:s13] =	ssyncadd.s32 $0xFFFFF9C0  }
0xd5: {  	_ =	swait.ge [sflag:s6], $0xC800  }
0xd6: {  	[sflag:s6] =	ssyncset.done $0x0  }
0xd7: {  	[sflag:s6] =	ssyncadd.s32 $0xFFFF3800  }
0xd8: {  	[tilespmem:s9], [sflag:$0x4] =	stream.indirect.gather [hbm4b:s3+s31], $0x20, s31, s31, $0xb8;
	[tilespmem:$0x19C80] =	vst v63  }
0xd9: {  	_ =	swait.ge [sflag:s10], $0xC800  }
0xda: {  	[sflag:s10] =	ssyncset.done $0x0  }
0xdb: {  	[sflag:s10] =	ssyncadd.s32 $0xFFFF3800  }
0xdc: {  	[tilespmem:s31], [sflag:$0x2] =	stream.linear.gather [hbm4b:s7+s2], $0x640, $0x38;
	[tilespmem:$0x19C80] =	vst v63  }
0xdd: {  	_ = 	snop  }
0xde: {  	[hbm4b:s14+s2] =	stream.linear.scatter [tilespmem:s9], [sflag:$0x6], $0xC800, $0x38;
	[tilespmem:$0x19C80] =	vst v63  }
0xdf: {  	_ =	swait.ge [sflag:s16], $0x640  }
0xe0: {  	[sflag:s16] =	ssyncset.done $0x0  }
0xe1: {  	[sflag:s16] =	ssyncadd.s32 $0xFFFFF9C0  }
0xe2: {  	_ =	swait.ge [sflag:s8], $0xC800  }
0xe3: {  	[sflag:s8] =	ssyncset.done $0x0  }
0xe4: {  	[sflag:s8] =	ssyncadd.s32 $0xFFFF3800  }
0xe5: {  	[tilespmem:s11], [sflag:$0x3] =	stream.indirect.gather [hbm4b:s3+s31], $0x20, s2, s31, $0xb8;
	[tilespmem:$0x19C80] =	vst v63  }
0xe6: {  	_ =	swait.ge [sflag:s15], $0xC800  }
0xe7: {  	[sflag:s15] =	ssyncset.done $0x0  }
0xe8: {  	[sflag:s15] =	ssyncadd.s32 $0xFFFF3800  }
0xe9: {  	[hbm4b:s12+s2] =	stream.linear.scatter [tilespmem:s11], [sflag:$0x5], $0xC800, $0x38;
	[tilespmem:$0x19C80] =	vst v63  }
0xea: {  	_ =	swait.ge [sflag:s13], $0x640  }
0xeb: {  	[sflag:s13] =	ssyncset.done $0x0  }
0xec: {  	[sflag:s13] =	ssyncadd.s32 $0xFFFFF9C0  }
0xed: {  	_ =	swait.ge [sflag:s6], $0xC800  }
0xee: {  	[sflag:s6] =	ssyncset.done $0x0  }
0xef: {  	[sflag:s6] =	ssyncadd.s32 $0xFFFF3800  }
0xf0: {  	[tilespmem:s9], [sflag:$0x4] =	stream.indirect.gather [hbm4b:s3+s31], $0x20, s31, s31, $0xb8;
	[tilespmem:$0x19C80] =	vst v63  }
0xf1: {  	_ =	swait.ge [sflag:s10], $0xC800  }
0xf2: {  	[sflag:s10] =	ssyncset.done $0x0  }
0xf3: {  	[sflag:s10] =	ssyncadd.s32 $0xFFFF3800  }
0xf4: {  	[hbm4b:s4+s2] =	stream.linear.scatter [tilespmem:s9], [sflag:$0x6], $0xC800, $0x38;
	[tilespmem:$0x19C80] =	vst v63  }
0xf5: {  	_ =	swait.ge [sflag:s8], $0xC800  }
0xf6: {  	s1 =	rddreg [dreg:$0x12]  }
0xf7: {  	p1 =	sne.s32 s1, $0x1  }
.Ltmp1:
0xf8: {  	_ = 	snop;
	(pc) =	sbr.rel @!p1 .LBB2_3-.Ltmp1, $4  }
0xf9: {  	[sflag:s8] =	ssyncset.done $0x0  }
0xfa: {  	[sflag:s8] =	ssyncadd.s32 $0xFFFF3800  }
0xfb: {  	p0 =	por $0x1, $0x1;
	_ =	swait.ge [sflag:s6], $0xC800;
	[dreg:$0x11] =	wrdreg s5  }
0xfc: {  	s1 =	sadd.s32 $0xFFFFFFFF, s1;
	s0 =	rddreg [dreg:$0x3];
	[sflag:s6] =	ssyncset.done $0x0  }
.LBB2_2:
0xfd: {  	[sflag:s6] =	ssyncadd.s32 $0xFFFF3800;
	s9 =	smov.u32 s30;
	s30 =	smov.u32 s29  }
0xfe: {  	s29 =	smov.u32 s28;
	s28 =	smov.u32 s26;
	s26 =	smov.u32 s25  }
0xff: {  	s25 =	smov.u32 s24;
	s24 =	smov.u32 s23;
	s23 =	smov.u32 s22  }
0x100: {  	s22 =	smov.u32 s21;
	s21 =	smov.u32 s20;
	s20 =	smov.u32 s19  }
0x101: {  	s19 =	smov.u32 s18;
	s18 =	smov.u32 s17;
	s17 =	smov.u32 s14  }
0x102: {  	[tilespmem:s2], [sflag:$0x1] =	stream.linear.gather [hbm4b:s0+s2], $0x640, $0x38;
	[tilespmem:$0x19C80] =	vst v63  }
0x103: {  	s14 =	smov.u32 s7;
	s7 =	smov.u32 s4;
	s4 =	rddreg [dreg:$0x4]  }
0x104: {  	[tilespmem:s31], [sflag:$0x2] =	stream.linear.gather [hbm4b:s4+s2], $0x640, $0x38;
	[tilespmem:$0x19C80] =	vst v63  }
0x105: {  	_ =	swait.ge [sflag:s16], $0x640  }
0x106: {  	[sflag:s16] =	ssyncset.done $0x0  }
0x107: {  	s5 =	simm.s32 $0xC80;
	[sflag:s16] =	ssyncadd.s32 $0xFFFFF9C0  }
0x108: {  	[tilespmem:s5], [sflag:$0x3] =	stream.indirect.gather [hbm4b:s3+s31], $0x20, s2, s31, $0xb8;
	[tilespmem:$0x19C80] =	vst v63  }
0x109: {  	_ =	swait.ge [sflag:s15], $0xC800  }
0x10a: {  	[sflag:s15] =	ssyncset.done $0x0  }
0x10b: {  	s0 =	rddreg [dreg:$0x5];
	[sflag:s15] =	ssyncadd.s32 $0xFFFF3800  }
0x10c: {  	[tilespmem:s2], [sflag:$0x1] =	stream.linear.gather [hbm4b:s0+s2], $0x640, $0x38;
	[tilespmem:$0x19C80] =	vst v63  }
0x10d: {  	s4 =	rddreg [dreg:$0x6]  }
0x10e: {  	[hbm4b:s4+s2] =	stream.linear.scatter [tilespmem:s5], [sflag:$0x5], $0xC800, $0x38;
	[tilespmem:$0x19C80] =	vst v63  }
0x10f: {  	_ =	swait.ge [sflag:s13], $0x640  }
0x110: {  	[sflag:s13] =	ssyncset.done $0x0  }
0x111: {  	s11 =	simm.s32 $0xD480;
	[sflag:s13] =	ssyncadd.s32 $0xFFFFF9C0  }
0x112: {  	[tilespmem:s11], [sflag:$0x4] =	stream.indirect.gather [hbm4b:s3+s31], $0x20, s31, s31, $0xb8;
	[tilespmem:$0x19C80] =	vst v63  }
0x113: {  	_ =	swait.ge [sflag:s10], $0xC800  }
0x114: {  	[sflag:s10] =	ssyncset.done $0x0  }
0x115: {  	s0 =	rddreg [dreg:$0x7];
	[sflag:s10] =	ssyncadd.s32 $0xFFFF3800  }
0x116: {  	[tilespmem:s31], [sflag:$0x2] =	stream.linear.gather [hbm4b:s0+s2], $0x640, $0x38;
	[tilespmem:$0x19C80] =	vst v63  }
0x117: {  	s4 =	rddreg [dreg:$0x8]  }
0x118: {  	[hbm4b:s4+s2] =	stream.linear.scatter [tilespmem:s11], [sflag:$0x6], $0xC800, $0x38;
	[tilespmem:$0x19C80] =	vst v63  }
0x119: {  	_ =	swait.ge [sflag:s16], $0x640  }
0x11a: {  	[sflag:s16] =	ssyncset.done $0x0  }
0x11b: {  	[sflag:s16] =	ssyncadd.s32 $0xFFFFF9C0  }
0x11c: {  	_ =	swait.ge [sflag:s8], $0xC800  }
0x11d: {  	[sflag:s8] =	ssyncset.done $0x0  }
0x11e: {  	[sflag:s8] =	ssyncadd.s32 $0xFFFF3800  }
0x11f: {  	[tilespmem:s5], [sflag:$0x3] =	stream.indirect.gather [hbm4b:s3+s31], $0x20, s2, s31, $0xb8;
	[tilespmem:$0x19C80] =	vst v63  }
0x120: {  	_ =	swait.ge [sflag:s15], $0xC800  }
0x121: {  	[sflag:s15] =	ssyncset.done $0x0  }
0x122: {  	s0 =	rddreg [dreg:$0x9];
	[sflag:s15] =	ssyncadd.s32 $0xFFFF3800  }
0x123: {  	[tilespmem:s2], [sflag:$0x1] =	stream.linear.gather [hbm4b:s0+s2], $0x640, $0x38;
	[tilespmem:$0x19C80] =	vst v63  }
0x124: {  	s4 =	rddreg [dreg:$0xa]  }
0x125: {  	[hbm4b:s4+s2] =	stream.linear.scatter [tilespmem:s5], [sflag:$0x5], $0xC800, $0x38;
	[tilespmem:$0x19C80] =	vst v63  }
0x126: {  	_ =	swait.ge [sflag:s13], $0x640  }
0x127: {  	[sflag:s13] =	ssyncset.done $0x0  }
0x128: {  	[sflag:s13] =	ssyncadd.s32 $0xFFFFF9C0  }
0x129: {  	_ =	swait.ge [sflag:s6], $0xC800  }
0x12a: {  	[sflag:s6] =	ssyncset.done $0x0  }
0x12b: {  	[sflag:s6] =	ssyncadd.s32 $0xFFFF3800  }
0x12c: {  	[tilespmem:s11], [sflag:$0x4] =	stream.indirect.gather [hbm4b:s3+s31], $0x20, s31, s31, $0xb8;
	[tilespmem:$0x19C80] =	vst v63  }
0x12d: {  	_ =	swait.ge [sflag:s10], $0xC800  }
0x12e: {  	[sflag:s10] =	ssyncset.done $0x0  }
0x12f: {  	s0 =	rddreg [dreg:$0xb];
	[sflag:s10] =	ssyncadd.s32 $0xFFFF3800  }
0x130: {  	[tilespmem:s31], [sflag:$0x2] =	stream.linear.gather [hbm4b:s0+s2], $0x640, $0x38;
	[tilespmem:$0x19C80] =	vst v63  }
0x131: {  	s4 =	rddreg [dreg:$0xc]  }
0x132: {  	[hbm4b:s4+s2] =	stream.linear.scatter [tilespmem:s11], [sflag:$0x6], $0xC800, $0x38;
	[tilespmem:$0x19C80] =	vst v63  }
0x133: {  	_ =	swait.ge [sflag:s16], $0x640  }
0x134: {  	[sflag:s16] =	ssyncset.done $0x0  }
0x135: {  	[sflag:s16] =	ssyncadd.s32 $0xFFFFF9C0  }
0x136: {  	_ =	swait.ge [sflag:s8], $0xC800  }
0x137: {  	[sflag:s8] =	ssyncset.done $0x0  }
0x138: {  	[sflag:s8] =	ssyncadd.s32 $0xFFFF3800  }
0x139: {  	[tilespmem:s5], [sflag:$0x3] =	stream.indirect.gather [hbm4b:s3+s31], $0x20, s2, s31, $0xb8;
	[tilespmem:$0x19C80] =	vst v63  }
0x13a: {  	_ =	swait.ge [sflag:s15], $0xC800  }
0x13b: {  	[sflag:s15] =	ssyncset.done $0x0  }
0x13c: {  	s0 =	rddreg [dreg:$0xd];
	[sflag:s15] =	ssyncadd.s32 $0xFFFF3800  }
0x13d: {  	[tilespmem:s2], [sflag:$0x1] =	stream.linear.gather [hbm4b:s0+s2], $0x640, $0x38;
	[tilespmem:$0x19C80] =	vst v63  }
0x13e: {  	s4 =	rddreg [dreg:$0xe]  }
0x13f: {  	[hbm4b:s4+s2] =	stream.linear.scatter [tilespmem:s5], [sflag:$0x5], $0xC800, $0x38;
	[tilespmem:$0x19C80] =	vst v63  }
0x140: {  	_ =	swait.ge [sflag:s13], $0x640  }
0x141: {  	[sflag:s13] =	ssyncset.done $0x0  }
0x142: {  	[sflag:s13] =	ssyncadd.s32 $0xFFFFF9C0  }
0x143: {  	_ =	swait.ge [sflag:s6], $0xC800  }
0x144: {  	[sflag:s6] =	ssyncset.done $0x0  }
0x145: {  	[sflag:s6] =	ssyncadd.s32 $0xFFFF3800  }
0x146: {  	[tilespmem:s11], [sflag:$0x4] =	stream.indirect.gather [hbm4b:s3+s31], $0x20, s31, s31, $0xb8;
	[tilespmem:$0x19C80] =	vst v63  }
0x147: {  	_ =	swait.ge [sflag:s10], $0xC800  }
0x148: {  	[sflag:s10] =	ssyncset.done $0x0  }
0x149: {  	s4 =	rddreg [dreg:$0xf];
	[sflag:s10] =	ssyncadd.s32 $0xFFFF3800  }
0x14a: {  	[tilespmem:s31], [sflag:$0x2] =	stream.linear.gather [hbm4b:s4+s2], $0x640, $0x38;
	[tilespmem:$0x19C80] =	vst v63  }
0x14b: {  	s5 =	rddreg [dreg:$0x10]  }
0x14c: {  	[hbm4b:s5+s2] =	stream.linear.scatter [tilespmem:s11], [sflag:$0x6], $0xC800, $0x38;
	[tilespmem:$0x19C80] =	vst v63  }
0x14d: {  	s4 =	smov.u32 s7;
	s5 =	rddreg [dreg:$0x11];
	_ =	swait.ge [sflag:s16], $0x640  }
0x14e: {  	s7 =	smov.u32 s14;
	s14 =	smov.u32 s17;
	[sflag:s16] =	ssyncset.done $0x0  }
0x14f: {  	s17 =	smov.u32 s18;
	s18 =	smov.u32 s19;
	[sflag:s16] =	ssyncadd.s32 $0xFFFFF9C0  }
0x150: {  	s19 =	smov.u32 s20;
	s20 =	smov.u32 s21;
	_ =	swait.ge [sflag:s8], $0xC800  }
0x151: {  	s21 =	smov.u32 s22;
	s22 =	smov.u32 s23;
	[sflag:s8] =	ssyncset.done $0x0  }
0x152: {  	s23 =	smov.u32 s24;
	s11 =	simm.s32 $0xC80;
	[sflag:s8] =	ssyncadd.s32 $0xFFFF3800  }
0x153: {  	[tilespmem:s11], [sflag:$0x3] =	stream.indirect.gather [hbm4b:s3+s31], $0x20, s2, s31, $0xb8;
	[tilespmem:$0x19C80] =	vst v63  }
0x154: {  	s24 =	smov.u32 s25;
	s25 =	smov.u32 s26;
	_ =	swait.ge [sflag:s15], $0xC800  }
0x155: {  	s26 =	smov.u32 s28;
	s28 =	smov.u32 s29;
	[sflag:s15] =	ssyncset.done $0x0  }
0x156: {  	s29 =	smov.u32 s30;
	s30 =	smov.u32 s9;
	[sflag:s15] =	ssyncadd.s32 $0xFFFF3800  }
0x157: {  	[tilespmem:s2], [sflag:$0x1] =	stream.linear.gather [hbm4b:s30+s2], $0x640, $0x38;
	[tilespmem:$0x19C80] =	vst v63  }
0x158: {  	_ = 	snop  }
0x159: {  	[hbm4b:s5+s2] =	stream.linear.scatter [tilespmem:s11], [sflag:$0x5], $0xC800, $0x38;
	[tilespmem:$0x19C80] =	vst v63  }
0x15a: {  	_ =	swait.ge [sflag:s13], $0x640  }
0x15b: {  	[sflag:s13] =	ssyncset.done $0x0  }
0x15c: {  	[sflag:s13] =	ssyncadd.s32 $0xFFFFF9C0  }
0x15d: {  	_ =	swait.ge [sflag:s6], $0xC800  }
0x15e: {  	[sflag:s6] =	ssyncset.done $0x0  }
0x15f: {  	s9 =	simm.s32 $0xD480;
	[sflag:s6] =	ssyncadd.s32 $0xFFFF3800  }
0x160: {  	[tilespmem:s9], [sflag:$0x4] =	stream.indirect.gather [hbm4b:s3+s31], $0x20, s31, s31, $0xb8;
	[tilespmem:$0x19C80] =	vst v63  }
0x161: {  	_ =	swait.ge [sflag:s10], $0xC800  }
0x162: {  	[sflag:s10] =	ssyncset.done $0x0  }
0x163: {  	[sflag:s10] =	ssyncadd.s32 $0xFFFF3800  }
0x164: {  	[tilespmem:s31], [sflag:$0x2] =	stream.linear.gather [hbm4b:s28+s2], $0x640, $0x38;
	[tilespmem:$0x19C80] =	vst v63  }
0x165: {  	_ = 	snop  }
0x166: {  	[hbm4b:s29+s2] =	stream.linear.scatter [tilespmem:s9], [sflag:$0x6], $0xC800, $0x38;
	[tilespmem:$0x19C80] =	vst v63  }
0x167: {  	_ =	swait.ge [sflag:s16], $0x640  }
0x168: {  	[sflag:s16] =	ssyncset.done $0x0  }
0x169: {  	[sflag:s16] =	ssyncadd.s32 $0xFFFFF9C0  }
0x16a: {  	_ =	swait.ge [sflag:s8], $0xC800  }
0x16b: {  	[sflag:s8] =	ssyncset.done $0x0  }
0x16c: {  	[sflag:s8] =	ssyncadd.s32 $0xFFFF3800  }
0x16d: {  	[tilespmem:s11], [sflag:$0x3] =	stream.indirect.gather [hbm4b:s3+s31], $0x20, s2, s31, $0xb8;
	[tilespmem:$0x19C80] =	vst v63  }
0x16e: {  	_ =	swait.ge [sflag:s15], $0xC800  }
0x16f: {  	[sflag:s15] =	ssyncset.done $0x0  }
0x170: {  	[sflag:s15] =	ssyncadd.s32 $0xFFFF3800  }
0x171: {  	[tilespmem:s2], [sflag:$0x1] =	stream.linear.gather [hbm4b:s25+s2], $0x640, $0x38;
	[tilespmem:$0x19C80] =	vst v63  }
0x172: {  	_ = 	snop  }
0x173: {  	[hbm4b:s26+s2] =	stream.linear.scatter [tilespmem:s11], [sflag:$0x5], $0xC800, $0x38;
	[tilespmem:$0x19C80] =	vst v63  }
0x174: {  	_ =	swait.ge [sflag:s13], $0x640  }
0x175: {  	[sflag:s13] =	ssyncset.done $0x0  }
0x176: {  	[sflag:s13] =	ssyncadd.s32 $0xFFFFF9C0  }
0x177: {  	_ =	swait.ge [sflag:s6], $0xC800  }
0x178: {  	[sflag:s6] =	ssyncset.done $0x0  }
0x179: {  	[sflag:s6] =	ssyncadd.s32 $0xFFFF3800  }
0x17a: {  	[tilespmem:s9], [sflag:$0x4] =	stream.indirect.gather [hbm4b:s3+s31], $0x20, s31, s31, $0xb8;
	[tilespmem:$0x19C80] =	vst v63  }
0x17b: {  	_ =	swait.ge [sflag:s10], $0xC800  }
0x17c: {  	[sflag:s10] =	ssyncset.done $0x0  }
0x17d: {  	[sflag:s10] =	ssyncadd.s32 $0xFFFF3800  }
0x17e: {  	[tilespmem:s31], [sflag:$0x2] =	stream.linear.gather [hbm4b:s23+s2], $0x640, $0x38;
	[tilespmem:$0x19C80] =	vst v63  }
0x17f: {  	_ = 	snop  }
0x180: {  	[hbm4b:s24+s2] =	stream.linear.scatter [tilespmem:s9], [sflag:$0x6], $0xC800, $0x38;
	[tilespmem:$0x19C80] =	vst v63  }
0x181: {  	_ =	swait.ge [sflag:s16], $0x640  }
0x182: {  	[sflag:s16] =	ssyncset.done $0x0  }
0x183: {  	[sflag:s16] =	ssyncadd.s32 $0xFFFFF9C0  }
0x184: {  	_ =	swait.ge [sflag:s8], $0xC800  }
0x185: {  	[sflag:s8] =	ssyncset.done $0x0  }
0x186: {  	[sflag:s8] =	ssyncadd.s32 $0xFFFF3800  }
0x187: {  	[tilespmem:s11], [sflag:$0x3] =	stream.indirect.gather [hbm4b:s3+s31], $0x20, s2, s31, $0xb8;
	[tilespmem:$0x19C80] =	vst v63  }
0x188: {  	_ =	swait.ge [sflag:s15], $0xC800  }
0x189: {  	[sflag:s15] =	ssyncset.done $0x0  }
0x18a: {  	[sflag:s15] =	ssyncadd.s32 $0xFFFF3800  }
0x18b: {  	[tilespmem:s2], [sflag:$0x1] =	stream.linear.gather [hbm4b:s21+s2], $0x640, $0x38;
	[tilespmem:$0x19C80] =	vst v63  }
0x18c: {  	_ = 	snop  }
0x18d: {  	[hbm4b:s22+s2] =	stream.linear.scatter [tilespmem:s11], [sflag:$0x5], $0xC800, $0x38;
	[tilespmem:$0x19C80] =	vst v63  }
0x18e: {  	_ =	swait.ge [sflag:s13], $0x640  }
0x18f: {  	[sflag:s13] =	ssyncset.done $0x0  }
0x190: {  	[sflag:s13] =	ssyncadd.s32 $0xFFFFF9C0  }
0x191: {  	_ =	swait.ge [sflag:s6], $0xC800  }
0x192: {  	[sflag:s6] =	ssyncset.done $0x0  }
0x193: {  	[sflag:s6] =	ssyncadd.s32 $0xFFFF3800  }
0x194: {  	[tilespmem:s9], [sflag:$0x4] =	stream.indirect.gather [hbm4b:s3+s31], $0x20, s31, s31, $0xb8;
	[tilespmem:$0x19C80] =	vst v63  }
0x195: {  	_ =	swait.ge [sflag:s10], $0xC800  }
0x196: {  	[sflag:s10] =	ssyncset.done $0x0  }
0x197: {  	[sflag:s10] =	ssyncadd.s32 $0xFFFF3800  }
0x198: {  	[tilespmem:s31], [sflag:$0x2] =	stream.linear.gather [hbm4b:s19+s2], $0x640, $0x38;
	[tilespmem:$0x19C80] =	vst v63  }
0x199: {  	_ = 	snop  }
0x19a: {  	[hbm4b:s20+s2] =	stream.linear.scatter [tilespmem:s9], [sflag:$0x6], $0xC800, $0x38;
	[tilespmem:$0x19C80] =	vst v63  }
0x19b: {  	_ =	swait.ge [sflag:s16], $0x640  }
0x19c: {  	[sflag:s16] =	ssyncset.done $0x0  }
0x19d: {  	[sflag:s16] =	ssyncadd.s32 $0xFFFFF9C0  }
0x19e: {  	_ =	swait.ge [sflag:s8], $0xC800  }
0x19f: {  	[sflag:s8] =	ssyncset.done $0x0  }
0x1a0: {  	[sflag:s8] =	ssyncadd.s32 $0xFFFF3800  }
0x1a1: {  	[tilespmem:s11], [sflag:$0x3] =	stream.indirect.gather [hbm4b:s3+s31], $0x20, s2, s31, $0xb8;
	[tilespmem:$0x19C80] =	vst v63  }
0x1a2: {  	_ =	swait.ge [sflag:s15], $0xC800  }
0x1a3: {  	[sflag:s15] =	ssyncset.done $0x0  }
0x1a4: {  	[sflag:s15] =	ssyncadd.s32 $0xFFFF3800  }
0x1a5: {  	[tilespmem:s2], [sflag:$0x1] =	stream.linear.gather [hbm4b:s17+s2], $0x640, $0x38;
	[tilespmem:$0x19C80] =	vst v63  }
0x1a6: {  	_ = 	snop  }
0x1a7: {  	[hbm4b:s18+s2] =	stream.linear.scatter [tilespmem:s11], [sflag:$0x5], $0xC800, $0x38;
	[tilespmem:$0x19C80] =	vst v63  }
0x1a8: {  	_ =	swait.ge [sflag:s13], $0x640  }
0x1a9: {  	[sflag:s13] =	ssyncset.done $0x0  }
0x1aa: {  	[sflag:s13] =	ssyncadd.s32 $0xFFFFF9C0  }
0x1ab: {  	_ =	swait.ge [sflag:s6], $0xC800  }
0x1ac: {  	[sflag:s6] =	ssyncset.done $0x0  }
0x1ad: {  	[sflag:s6] =	ssyncadd.s32 $0xFFFF3800  }
0x1ae: {  	[tilespmem:s9], [sflag:$0x4] =	stream.indirect.gather [hbm4b:s3+s31], $0x20, s31, s31, $0xb8;
	[tilespmem:$0x19C80] =	vst v63  }
0x1af: {  	_ =	swait.ge [sflag:s10], $0xC800  }
0x1b0: {  	[sflag:s10] =	ssyncset.done $0x0  }
0x1b1: {  	[sflag:s10] =	ssyncadd.s32 $0xFFFF3800  }
0x1b2: {  	[tilespmem:s31], [sflag:$0x2] =	stream.linear.gather [hbm4b:s7+s2], $0x640, $0x38;
	[tilespmem:$0x19C80] =	vst v63  }
0x1b3: {  	_ = 	snop  }
0x1b4: {  	[hbm4b:s14+s2] =	stream.linear.scatter [tilespmem:s9], [sflag:$0x6], $0xC800, $0x38;
	[tilespmem:$0x19C80] =	vst v63  }
0x1b5: {  	_ =	swait.ge [sflag:s16], $0x640  }
0x1b6: {  	[sflag:s16] =	ssyncset.done $0x0  }
0x1b7: {  	[sflag:s16] =	ssyncadd.s32 $0xFFFFF9C0  }
0x1b8: {  	_ =	swait.ge [sflag:s8], $0xC800  }
0x1b9: {  	[sflag:s8] =	ssyncset.done $0x0  }
0x1ba: {  	[sflag:s8] =	ssyncadd.s32 $0xFFFF3800  }
0x1bb: {  	[tilespmem:s11], [sflag:$0x3] =	stream.indirect.gather [hbm4b:s3+s31], $0x20, s2, s31, $0xb8;
	[tilespmem:$0x19C80] =	vst v63  }
0x1bc: {  	_ =	swait.ge [sflag:s15], $0xC800  }
0x1bd: {  	[sflag:s15] =	ssyncset.done $0x0  }
0x1be: {  	[sflag:s15] =	ssyncadd.s32 $0xFFFF3800  }
0x1bf: {  	[hbm4b:s12+s2] =	stream.linear.scatter [tilespmem:s11], [sflag:$0x5], $0xC800, $0x38;
	[tilespmem:$0x19C80] =	vst v63  }
0x1c0: {  	_ =	swait.ge [sflag:s13], $0x640  }
0x1c1: {  	[sflag:s13] =	ssyncset.done $0x0  }
0x1c2: {  	[sflag:s13] =	ssyncadd.s32 $0xFFFFF9C0  }
0x1c3: {  	_ =	swait.ge [sflag:s6], $0xC800  }
0x1c4: {  	[sflag:s6] =	ssyncset.done $0x0  }
0x1c5: {  	[sflag:s6] =	ssyncadd.s32 $0xFFFF3800  }
0x1c6: {  	[tilespmem:s9], [sflag:$0x4] =	stream.indirect.gather [hbm4b:s3+s31], $0x20, s31, s31, $0xb8;
	[tilespmem:$0x19C80] =	vst v63  }
0x1c7: {  	_ =	swait.ge [sflag:s10], $0xC800  }
0x1c8: {  	[sflag:s10] =	ssyncset.done $0x0  }
0x1c9: {  	p1 =	sne.s32 s1, $0x1;
	[sflag:s10] =	ssyncadd.s32 $0xFFFF3800  }
0x1ca: {  	[hbm4b:s4+s2] =	stream.linear.scatter [tilespmem:s9], [sflag:$0x6], $0xC800, $0x38;
	[tilespmem:$0x19C80] =	vst v63  }
.Ltmp2:
0x1cb: {  	_ =	swait.ge [sflag:s8], $0xC800;
	(pc) =	sbr.rel @p1 .LBB2_2-.Ltmp2, $4  }
0x1cc: {  	[sflag:s8] =	ssyncset.done $0x0  }
0x1cd: {  	[sflag:s8] =	ssyncadd.s32 $0xFFFF3800  }
0x1ce: {  	_ =	swait.ge [sflag:s6], $0xC800  }
0x1cf: {  	s1 =	sadd.s32 $0xFFFFFFFF, s1;
	s0 =	rddreg [dreg:$0x3];
	[sflag:s6] =	ssyncset.done $0x0  }
.LBB2_3:
0x1d0: {  	[sflag:s6] =	ssyncadd.s32 @p0 $0xFFFF3800  }
0x1d1: {  	[tilespmem:s2], [sflag:$0x1] =	stream.linear.gather [hbm4b:s0+s2], $0x640, $0x38;
	[tilespmem:$0x19C80] =	vst v63  }
0x1d2: {  	s1 =	rddreg [dreg:$0x4]  }
0x1d3: {  	[tilespmem:s31], [sflag:$0x2] =	stream.linear.gather [hbm4b:s1+s2], $0x640, $0x38;
	[tilespmem:$0x19C80] =	vst v63  }
0x1d4: {  	_ =	swait.ge [sflag:s16], $0x640  }
0x1d5: {  	[sflag:s16] =	ssyncset.done $0x0  }
0x1d6: {  	[sflag:s16] =	ssyncadd.s32 $0xFFFFF9C0  }
0x1d7: {  	[tilespmem:s11], [sflag:$0x3] =	stream.indirect.gather [hbm4b:s3+s31], $0x20, s2, s31, $0xb8;
	[tilespmem:$0x19C80] =	vst v63  }
0x1d8: {  	_ =	swait.ge [sflag:s15], $0xC800  }
0x1d9: {  	[sflag:s15] =	ssyncset.done $0x0  }
0x1da: {  	s0 =	rddreg [dreg:$0x5];
	[sflag:s15] =	ssyncadd.s32 $0xFFFF3800  }
0x1db: {  	[tilespmem:s2], [sflag:$0x1] =	stream.linear.gather [hbm4b:s0+s2], $0x640, $0x38;
	[tilespmem:$0x19C80] =	vst v63  }
0x1dc: {  	s1 =	rddreg [dreg:$0x6]  }
0x1dd: {  	[hbm4b:s1+s2] =	stream.linear.scatter [tilespmem:s11], [sflag:$0x5], $0xC800, $0x38;
	[tilespmem:$0x19C80] =	vst v63  }
0x1de: {  	_ =	swait.ge [sflag:s13], $0x640  }
0x1df: {  	[sflag:s13] =	ssyncset.done $0x0  }
0x1e0: {  	[sflag:s13] =	ssyncadd.s32 $0xFFFFF9C0  }
0x1e1: {  	[tilespmem:s9], [sflag:$0x4] =	stream.indirect.gather [hbm4b:s3+s31], $0x20, s31, s31, $0xb8;
	[tilespmem:$0x19C80] =	vst v63  }
0x1e2: {  	_ =	swait.ge [sflag:s10], $0xC800  }
0x1e3: {  	[sflag:s10] =	ssyncset.done $0x0  }
0x1e4: {  	s0 =	rddreg [dreg:$0x7];
	[sflag:s10] =	ssyncadd.s32 $0xFFFF3800  }
0x1e5: {  	[tilespmem:s31], [sflag:$0x2] =	stream.linear.gather [hbm4b:s0+s2], $0x640, $0x38;
	[tilespmem:$0x19C80] =	vst v63  }
0x1e6: {  	s1 =	rddreg [dreg:$0x8]  }
0x1e7: {  	[hbm4b:s1+s2] =	stream.linear.scatter [tilespmem:s9], [sflag:$0x6], $0xC800, $0x38;
	[tilespmem:$0x19C80] =	vst v63  }
0x1e8: {  	_ =	swait.ge [sflag:s16], $0x640  }
0x1e9: {  	[sflag:s16] =	ssyncset.done $0x0  }
0x1ea: {  	[sflag:s16] =	ssyncadd.s32 $0xFFFFF9C0  }
0x1eb: {  	_ =	swait.ge [sflag:s8], $0xC800  }
0x1ec: {  	[sflag:s8] =	ssyncset.done $0x0  }
0x1ed: {  	[sflag:s8] =	ssyncadd.s32 $0xFFFF3800  }
0x1ee: {  	[tilespmem:s11], [sflag:$0x3] =	stream.indirect.gather [hbm4b:s3+s31], $0x20, s2, s31, $0xb8;
	[tilespmem:$0x19C80] =	vst v63  }
0x1ef: {  	_ =	swait.ge [sflag:s15], $0xC800  }
0x1f0: {  	[sflag:s15] =	ssyncset.done $0x0  }
0x1f1: {  	s0 =	rddreg [dreg:$0x9];
	[sflag:s15] =	ssyncadd.s32 $0xFFFF3800  }
0x1f2: {  	[tilespmem:s2], [sflag:$0x1] =	stream.linear.gather [hbm4b:s0+s2], $0x640, $0x38;
	[tilespmem:$0x19C80] =	vst v63  }
0x1f3: {  	s1 =	rddreg [dreg:$0xa]  }
0x1f4: {  	[hbm4b:s1+s2] =	stream.linear.scatter [tilespmem:s11], [sflag:$0x5], $0xC800, $0x38;
	[tilespmem:$0x19C80] =	vst v63  }
0x1f5: {  	_ =	swait.ge [sflag:s13], $0x640  }
0x1f6: {  	[sflag:s13] =	ssyncset.done $0x0  }
0x1f7: {  	[sflag:s13] =	ssyncadd.s32 $0xFFFFF9C0  }
0x1f8: {  	_ =	swait.ge [sflag:s6], $0xC800  }
0x1f9: {  	[sflag:s6] =	ssyncset.done $0x0  }
0x1fa: {  	[sflag:s6] =	ssyncadd.s32 $0xFFFF3800  }
0x1fb: {  	[tilespmem:s9], [sflag:$0x4] =	stream.indirect.gather [hbm4b:s3+s31], $0x20, s31, s31, $0xb8;
	[tilespmem:$0x19C80] =	vst v63  }
0x1fc: {  	_ =	swait.ge [sflag:s10], $0xC800  }
0x1fd: {  	[sflag:s10] =	ssyncset.done $0x0  }
0x1fe: {  	s0 =	rddreg [dreg:$0xb];
	[sflag:s10] =	ssyncadd.s32 $0xFFFF3800  }
0x1ff: {  	[tilespmem:s31], [sflag:$0x2] =	stream.linear.gather [hbm4b:s0+s2], $0x640, $0x38;
	[tilespmem:$0x19C80] =	vst v63  }
0x200: {  	s1 =	rddreg [dreg:$0xc]  }
0x201: {  	[hbm4b:s1+s2] =	stream.linear.scatter [tilespmem:s9], [sflag:$0x6], $0xC800, $0x38;
	[tilespmem:$0x19C80] =	vst v63  }
0x202: {  	_ =	swait.ge [sflag:s16], $0x640  }
0x203: {  	[sflag:s16] =	ssyncset.done $0x0  }
0x204: {  	[sflag:s16] =	ssyncadd.s32 $0xFFFFF9C0  }
0x205: {  	_ =	swait.ge [sflag:s8], $0xC800  }
0x206: {  	[sflag:s8] =	ssyncset.done $0x0  }
0x207: {  	[sflag:s8] =	ssyncadd.s32 $0xFFFF3800  }
0x208: {  	[tilespmem:s11], [sflag:$0x3] =	stream.indirect.gather [hbm4b:s3+s31], $0x20, s2, s31, $0xb8;
	[tilespmem:$0x19C80] =	vst v63  }
0x209: {  	_ =	swait.ge [sflag:s15], $0xC800  }
0x20a: {  	[sflag:s15] =	ssyncset.done $0x0  }
0x20b: {  	s0 =	rddreg [dreg:$0xd];
	[sflag:s15] =	ssyncadd.s32 $0xFFFF3800  }
0x20c: {  	[tilespmem:s2], [sflag:$0x1] =	stream.linear.gather [hbm4b:s0+s2], $0x640, $0x38;
	[tilespmem:$0x19C80] =	vst v63  }
0x20d: {  	s1 =	rddreg [dreg:$0xe]  }
0x20e: {  	[hbm4b:s1+s2] =	stream.linear.scatter [tilespmem:s11], [sflag:$0x5], $0xC800, $0x38;
	[tilespmem:$0x19C80] =	vst v63  }
0x20f: {  	_ =	swait.ge [sflag:s13], $0x640  }
0x210: {  	[sflag:s13] =	ssyncset.done $0x0  }
0x211: {  	[sflag:s13] =	ssyncadd.s32 $0xFFFFF9C0  }
0x212: {  	_ =	swait.ge [sflag:s6], $0xC800  }
0x213: {  	[sflag:s6] =	ssyncset.done $0x0  }
0x214: {  	[sflag:s6] =	ssyncadd.s32 $0xFFFF3800  }
0x215: {  	[tilespmem:s9], [sflag:$0x4] =	stream.indirect.gather [hbm4b:s3+s31], $0x20, s31, s31, $0xb8;
	[tilespmem:$0x19C80] =	vst v63  }
0x216: {  	_ =	swait.ge [sflag:s10], $0xC800  }
0x217: {  	[sflag:s10] =	ssyncset.done $0x0  }
0x218: {  	s0 =	rddreg [dreg:$0xf];
	[sflag:s10] =	ssyncadd.s32 $0xFFFF3800  }
0x219: {  	[tilespmem:s31], [sflag:$0x2] =	stream.linear.gather [hbm4b:s0+s2], $0x640, $0x38;
	[tilespmem:$0x19C80] =	vst v63  }
0x21a: {  	s1 =	rddreg [dreg:$0x10]  }
0x21b: {  	[hbm4b:s1+s2] =	stream.linear.scatter [tilespmem:s9], [sflag:$0x6], $0xC800, $0x38;
	[tilespmem:$0x19C80] =	vst v63  }
0x21c: {  	_ =	swait.ge [sflag:s16], $0x640  }
0x21d: {  	[sflag:s16] =	ssyncset.done $0x0  }
0x21e: {  	[sflag:s16] =	ssyncadd.s32 $0xFFFFF9C0  }
0x21f: {  	_ =	swait.ge [sflag:s8], $0xC800  }
0x220: {  	[sflag:s8] =	ssyncset.done $0x0  }
0x221: {  	[sflag:s8] =	ssyncadd.s32 $0xFFFF3800  }
0x222: {  	[tilespmem:s11], [sflag:$0x3] =	stream.indirect.gather [hbm4b:s3+s31], $0x20, s2, s31, $0xb8;
	[tilespmem:$0x19C80] =	vst v63  }
0x223: {  	_ =	swait.ge [sflag:s15], $0xC800  }
0x224: {  	[sflag:s15] =	ssyncset.done $0x0  }
0x225: {  	[sflag:s15] =	ssyncadd.s32 $0xFFFF3800  }
0x226: {  	[tilespmem:s2], [sflag:$0x1] =	stream.linear.gather [hbm4b:s30+s2], $0x640, $0x38;
	[tilespmem:$0x19C80] =	vst v63  }
0x227: {  	_ = 	snop  }
0x228: {  	[hbm4b:s5+s2] =	stream.linear.scatter [tilespmem:s11], [sflag:$0x5], $0xC800, $0x38;
	[tilespmem:$0x19C80] =	vst v63  }
0x229: {  	_ =	swait.ge [sflag:s13], $0x640  }
0x22a: {  	[sflag:s13] =	ssyncset.done $0x0  }
0x22b: {  	[sflag:s13] =	ssyncadd.s32 $0xFFFFF9C0  }
0x22c: {  	_ =	swait.ge [sflag:s6], $0xC800  }
0x22d: {  	[sflag:s6] =	ssyncset.done $0x0  }
0x22e: {  	[sflag:s6] =	ssyncadd.s32 $0xFFFF3800  }
0x22f: {  	[tilespmem:s9], [sflag:$0x4] =	stream.indirect.gather [hbm4b:s3+s31], $0x20, s31, s31, $0xb8;
	[tilespmem:$0x19C80] =	vst v63  }
0x230: {  	_ =	swait.ge [sflag:s10], $0xC800  }
0x231: {  	[sflag:s10] =	ssyncset.done $0x0  }
0x232: {  	[sflag:s10] =	ssyncadd.s32 $0xFFFF3800  }
0x233: {  	[tilespmem:s31], [sflag:$0x2] =	stream.linear.gather [hbm4b:s28+s2], $0x640, $0x38;
	[tilespmem:$0x19C80] =	vst v63  }
0x234: {  	_ = 	snop  }
0x235: {  	[hbm4b:s29+s2] =	stream.linear.scatter [tilespmem:s9], [sflag:$0x6], $0xC800, $0x38;
	[tilespmem:$0x19C80] =	vst v63  }
0x236: {  	_ =	swait.ge [sflag:s16], $0x640  }
0x237: {  	[sflag:s16] =	ssyncset.done $0x0  }
0x238: {  	[sflag:s16] =	ssyncadd.s32 $0xFFFFF9C0  }
0x239: {  	_ =	swait.ge [sflag:s8], $0xC800  }
0x23a: {  	[sflag:s8] =	ssyncset.done $0x0  }
0x23b: {  	[sflag:s8] =	ssyncadd.s32 $0xFFFF3800  }
0x23c: {  	[tilespmem:s11], [sflag:$0x3] =	stream.indirect.gather [hbm4b:s3+s31], $0x20, s2, s31, $0xb8;
	[tilespmem:$0x19C80] =	vst v63  }
0x23d: {  	_ =	swait.ge [sflag:s15], $0xC800  }
0x23e: {  	[sflag:s15] =	ssyncset.done $0x0  }
0x23f: {  	[sflag:s15] =	ssyncadd.s32 $0xFFFF3800  }
0x240: {  	[tilespmem:s2], [sflag:$0x1] =	stream.linear.gather [hbm4b:s25+s2], $0x640, $0x38;
	[tilespmem:$0x19C80] =	vst v63  }
0x241: {  	_ = 	snop  }
0x242: {  	[hbm4b:s26+s2] =	stream.linear.scatter [tilespmem:s11], [sflag:$0x5], $0xC800, $0x38;
	[tilespmem:$0x19C80] =	vst v63  }
0x243: {  	_ =	swait.ge [sflag:s13], $0x640  }
0x244: {  	[sflag:s13] =	ssyncset.done $0x0  }
0x245: {  	[sflag:s13] =	ssyncadd.s32 $0xFFFFF9C0  }
0x246: {  	_ =	swait.ge [sflag:s6], $0xC800  }
0x247: {  	[sflag:s6] =	ssyncset.done $0x0  }
0x248: {  	[sflag:s6] =	ssyncadd.s32 $0xFFFF3800  }
0x249: {  	[tilespmem:s9], [sflag:$0x4] =	stream.indirect.gather [hbm4b:s3+s31], $0x20, s31, s31, $0xb8;
	[tilespmem:$0x19C80] =	vst v63  }
0x24a: {  	_ =	swait.ge [sflag:s10], $0xC800  }
0x24b: {  	[sflag:s10] =	ssyncset.done $0x0  }
0x24c: {  	[sflag:s10] =	ssyncadd.s32 $0xFFFF3800  }
0x24d: {  	[tilespmem:s31], [sflag:$0x2] =	stream.linear.gather [hbm4b:s23+s2], $0x640, $0x38;
	[tilespmem:$0x19C80] =	vst v63  }
0x24e: {  	_ = 	snop  }
0x24f: {  	[hbm4b:s24+s2] =	stream.linear.scatter [tilespmem:s9], [sflag:$0x6], $0xC800, $0x38;
	[tilespmem:$0x19C80] =	vst v63  }
0x250: {  	_ =	swait.ge [sflag:s16], $0x640  }
0x251: {  	[sflag:s16] =	ssyncset.done $0x0  }
0x252: {  	[sflag:s16] =	ssyncadd.s32 $0xFFFFF9C0  }
0x253: {  	_ =	swait.ge [sflag:s8], $0xC800  }
0x254: {  	[sflag:s8] =	ssyncset.done $0x0  }
0x255: {  	[sflag:s8] =	ssyncadd.s32 $0xFFFF3800  }
0x256: {  	[tilespmem:s11], [sflag:$0x3] =	stream.indirect.gather [hbm4b:s3+s31], $0x20, s2, s31, $0xb8;
	[tilespmem:$0x19C80] =	vst v63  }
0x257: {  	_ =	swait.ge [sflag:s15], $0xC800  }
0x258: {  	[sflag:s15] =	ssyncset.done $0x0  }
0x259: {  	[sflag:s15] =	ssyncadd.s32 $0xFFFF3800  }
0x25a: {  	[tilespmem:s2], [sflag:$0x1] =	stream.linear.gather [hbm4b:s21+s2], $0x640, $0x38;
	[tilespmem:$0x19C80] =	vst v63  }
0x25b: {  	_ = 	snop  }
0x25c: {  	[hbm4b:s22+s2] =	stream.linear.scatter [tilespmem:s11], [sflag:$0x5], $0xC800, $0x38;
	[tilespmem:$0x19C80] =	vst v63  }
0x25d: {  	_ =	swait.ge [sflag:s13], $0x640  }
0x25e: {  	[sflag:s13] =	ssyncset.done $0x0  }
0x25f: {  	[sflag:s13] =	ssyncadd.s32 $0xFFFFF9C0  }
0x260: {  	_ =	swait.ge [sflag:s6], $0xC800  }
0x261: {  	[sflag:s6] =	ssyncset.done $0x0  }
0x262: {  	[sflag:s6] =	ssyncadd.s32 $0xFFFF3800  }
0x263: {  	[tilespmem:s9], [sflag:$0x4] =	stream.indirect.gather [hbm4b:s3+s31], $0x20, s31, s31, $0xb8;
	[tilespmem:$0x19C80] =	vst v63  }
0x264: {  	_ =	swait.ge [sflag:s10], $0xC800  }
0x265: {  	[sflag:s10] =	ssyncset.done $0x0  }
0x266: {  	[sflag:s10] =	ssyncadd.s32 $0xFFFF3800  }
0x267: {  	[tilespmem:s31], [sflag:$0x2] =	stream.linear.gather [hbm4b:s19+s2], $0x640, $0x38;
	[tilespmem:$0x19C80] =	vst v63  }
0x268: {  	_ = 	snop  }
0x269: {  	[hbm4b:s20+s2] =	stream.linear.scatter [tilespmem:s9], [sflag:$0x6], $0xC800, $0x38;
	[tilespmem:$0x19C80] =	vst v63  }
0x26a: {  	_ =	swait.ge [sflag:s16], $0x640  }
0x26b: {  	[sflag:s16] =	ssyncset.done $0x0  }
0x26c: {  	[sflag:s16] =	ssyncadd.s32 $0xFFFFF9C0  }
0x26d: {  	_ =	swait.ge [sflag:s8], $0xC800  }
0x26e: {  	[sflag:s8] =	ssyncset.done $0x0  }
0x26f: {  	[sflag:s8] =	ssyncadd.s32 $0xFFFF3800  }
0x270: {  	[tilespmem:s11], [sflag:$0x3] =	stream.indirect.gather [hbm4b:s3+s31], $0x20, s2, s31, $0xb8;
	[tilespmem:$0x19C80] =	vst v63  }
0x271: {  	_ =	swait.ge [sflag:s15], $0xC800  }
0x272: {  	[sflag:s15] =	ssyncset.done $0x0  }
0x273: {  	[sflag:s15] =	ssyncadd.s32 $0xFFFF3800  }
0x274: {  	[tilespmem:s2], [sflag:$0x1] =	stream.linear.gather [hbm4b:s17+s2], $0x640, $0x38;
	[tilespmem:$0x19C80] =	vst v63  }
0x275: {  	_ = 	snop  }
0x276: {  	[hbm4b:s18+s2] =	stream.linear.scatter [tilespmem:s11], [sflag:$0x5], $0xC800, $0x38;
	[tilespmem:$0x19C80] =	vst v63  }
0x277: {  	_ =	swait.ge [sflag:s13], $0x640  }
0x278: {  	[sflag:s13] =	ssyncset.done $0x0  }
0x279: {  	[sflag:s13] =	ssyncadd.s32 $0xFFFFF9C0  }
0x27a: {  	_ =	swait.ge [sflag:s6], $0xC800  }
0x27b: {  	[sflag:s6] =	ssyncset.done $0x0  }
0x27c: {  	[sflag:s6] =	ssyncadd.s32 $0xFFFF3800  }
0x27d: {  	[tilespmem:s9], [sflag:$0x4] =	stream.indirect.gather [hbm4b:s3+s31], $0x20, s31, s31, $0xb8;
	[tilespmem:$0x19C80] =	vst v63  }
0x27e: {  	_ =	swait.ge [sflag:s10], $0xC800  }
0x27f: {  	[sflag:s10] =	ssyncset.done $0x0  }
0x280: {  	[sflag:s10] =	ssyncadd.s32 $0xFFFF3800  }
0x281: {  	[tilespmem:s31], [sflag:$0x2] =	stream.linear.gather [hbm4b:s7+s2], $0x640, $0x38;
	[tilespmem:$0x19C80] =	vst v63  }
0x282: {  	_ = 	snop  }
0x283: {  	[hbm4b:s14+s2] =	stream.linear.scatter [tilespmem:s9], [sflag:$0x6], $0xC800, $0x38;
	[tilespmem:$0x19C80] =	vst v63  }
0x284: {  	_ =	swait.ge [sflag:s16], $0x640  }
0x285: {  	[sflag:s16] =	ssyncset.done $0x0  }
0x286: {  	[sflag:s16] =	ssyncadd.s32 $0xFFFFF9C0  }
0x287: {  	_ =	swait.ge [sflag:s8], $0xC800  }
0x288: {  	[sflag:s8] =	ssyncset.done $0x0  }
0x289: {  	[sflag:s8] =	ssyncadd.s32 $0xFFFF3800  }
0x28a: {  	[tilespmem:s11], [sflag:$0x3] =	stream.indirect.gather [hbm4b:s3+s31], $0x20, s2, s31, $0xb8;
	[tilespmem:$0x19C80] =	vst v63  }
0x28b: {  	_ =	swait.ge [sflag:s15], $0xC800  }
0x28c: {  	[sflag:s15] =	ssyncset.done $0x0  }
0x28d: {  	[sflag:s15] =	ssyncadd.s32 $0xFFFF3800  }
0x28e: {  	[hbm4b:s12+s2] =	stream.linear.scatter [tilespmem:s11], [sflag:$0x5], $0xC800, $0x38;
	[tilespmem:$0x19C80] =	vst v63  }
0x28f: {  	_ =	swait.ge [sflag:s13], $0x640  }
0x290: {  	[sflag:s13] =	ssyncset.done $0x0  }
0x291: {  	[sflag:s13] =	ssyncadd.s32 $0xFFFFF9C0  }
0x292: {  	_ =	swait.ge [sflag:s6], $0xC800  }
0x293: {  	[sflag:s6] =	ssyncset.done $0x0  }
0x294: {  	[sflag:s6] =	ssyncadd.s32 $0xFFFF3800  }
0x295: {  	[tilespmem:s9], [sflag:$0x4] =	stream.indirect.gather [hbm4b:s3+s31], $0x20, s31, s31, $0xb8;
	[tilespmem:$0x19C80] =	vst v63  }
0x296: {  	_ =	swait.ge [sflag:s10], $0xC800  }
0x297: {  	[sflag:s10] =	ssyncset.done $0x0  }
0x298: {  	[sflag:s10] =	ssyncadd.s32 $0xFFFF3800  }
0x299: {  	[hbm4b:s4+s2] =	stream.linear.scatter [tilespmem:s9], [sflag:$0x6], $0xC800, $0x38;
	[tilespmem:$0x19C80] =	vst v63  }
0x29a: {  	_ =	swait.ge [sflag:s8], $0xC800  }
0x29b: {  	[sflag:s8] =	ssyncset.done $0x0  }
0x29c: {  	[sflag:s8] =	ssyncadd.s32 $0xFFFF3800  }
0x29d: {  	_ =	swait.ge [sflag:s6], $0xC800  }
0x29e: {  	[sflag:s6] =	ssyncset.done $0x0  }
0x29f: {  	[sflag:s6] =	ssyncadd.s32 $0xFFFF3800  }
0x2a0: {  	_ =	sfence.sel $0x180000  }
0x2a1: {  	[bflag:$0x0] =	sbarrier.arrive $0xFFFF  }
0x2a2: {  	_ =	strace $0x90000047  }
0x2a3: {  	s31 =	stileid.u32;
	[bflag:$0x2] =	sbarrier.arrive $0xFFFF  }
0x2a4: {  	p0 =	sne.s32 s31, $0x0;
	s0 =	rddreg [dreg:$0x2]  }
0x2a5: {  	s0 =	sadd.s32 @!p0 $0x100000, s0  }
0x2a6: {  	[sflag:s0] =	ssyncadd.tile.s32 @!p0 $0x1;
	_ =	shalt  }
.Lfunc_end2:
_tile_overlayer_lowered:
.L_overlay_start_2:
0x2a7: {  	(tag) =	ssettag $0x2  }
0x2a8: {  	s0 =	rddreg [dreg:$0x0];
	s2 =	stileid.u32  }
0x2a9: {  	s1 =	rddreg [dreg:$0x1];
	p0 =	sne.s32 s2, $0x0  }
0x2aa: {  	s3 =	rddreg [dreg:$0x2];
	[bflag:$0x3] =	sbarrier.arrive $0xFFFF;
	s2 =	simm.s32 @!p0 $0x1C07  }
0x2ab: {  	[timem:s3], [sflag:s2] =	dma.local @!p0 [hbm:s0], s1  }
0x2ac: {  	s0 =	simm.s32 @!p0 $0x7  }
0x2ad: {  	_ =	swait.ge @!p0 [sflag:s0], s1  }
0x2ae: {  	s1 =	ssub.s32 @!p0 $0x0, s1;
	[sflag:s0] =	ssyncset.done @!p0 $0x0  }
0x2af: {  	[sflag:s0] =	ssyncadd.s32 @!p0 s1  }
0x2b0: {  	[bflag:$0x3] =	sbarrier.arrive $0xFFFF  }
0x2b1: {  	_ =	shalt  }

// kernel: sparse-core-data-format-call.cloned.1.call-start
scs
called_computation_lowered:
.L_overlay_start_0:
0x0: {  	s2 =	sld [smem:$0x3FD9]  }
0x1: {  	s3 =	sld [smem:$0x3FFE];
	_ =	sdelay $0x1  }
0x2: {  	s1 =	srdreg.scid  }
0x3: {  	s0 =	sand.u32 $0x1, s1  }
0x4: {  	s18 =	sshll.u32 s0, $0xA;
	s2 =	sadd.s32 s3, s2  }
0x5: {  	s2 =	sadd.s32 s2, s18  }
0x6: {  	[smem:$0x3FC6] =	sst s2  }
0x7: {  	_ = 	snop  }
0x8: {  	s2 =	sld [smem:$0x3FD0];
	(tm) =	ssettm $0x1  }
0x9: {  	s19 =	sld [smem:$0x3FFB];
	_ =	sdelay $0x3  }
0xa: {  	_ =	strace s19  }
0xb: {  	s3 =	sld [smem:$0x3FFC];
	_ =	sdelay $0x3  }
0xc: {  	_ =	strace s3  }
0xd: {  	s3 =	sld [smem:$0x3FFD];
	_ =	sdelay $0x3  }
0xe: {  	_ =	strace s3  }
0xf: {  	_ =	strace $0x8FFFFFFF  }
0x10: {  	s20 =	sld [smem:$0x3FDB];
	_ =	sdelay $0x1  }
0x11: {  	s4 =	simm.s32 $_scs_section_size  }
0x12: {  	s5 =	simm.s32 $_size__tile_overlayer_lowered;
	s6 =	simm.s32 $_tile_overlayer_lowered  }
0x13: {  	s23 =	simm.s32 $0x1BFF;
	s22 =	sshll.u32 s6, $0x1;
	s3 =	sadd.s32 s4, s20  }
0x14: {  	s7 =	simm.s32 $0x0;
	s21 =	sshll.u32 s5, $0x1;
	s5 =	sadd.s32 s22, s3  }
0x15: {  	[timem:s7], [sflag:s23] =	dma.local [hbm:s5], s21  }
0x16: {  	_ =	swait.ge [sflag:s23], s21  }
0x17: {  	s4 =	ssub.s32 $0x0, s21;
	[sflag:s23] =	ssyncset.done $0x0  }
0x18: {  	[sflag:s23] =	ssyncadd.s32 s4;
	_ =	sdelay $0x1  }
0x19: {  	s24 =	simm.s32 $0x1B8B  }
0x1a: {  	_ =	swait.ge [sflag:s24], $0x1  }
0x1b: {  	[sflag:s24] =	ssyncset.done $0x0  }
0x1c: {  	s26 =	simm.s32 $0x1B8E;
	s25 =	sld [smem:$0x3FFE];
	[sflag:s24] =	ssyncadd.s32 $0xFFFFFFFF  }
0x1d: {  	s27 =	simm.s32 $execute0_lowered;
	[smem:$0x3FD2] =	sst s26  }
0x1e: {  	s5 =	sshll.u32 s27, $0x1;
	_ =	strace $0x80000049;
	[dreg:$0x1] =	wrdreg $0xFFFFFFFF  }
0x1f: {  	s28 =	simm.s32 $_size_execute0_lowered;
	s3 =	sadd.s32 s3, s5;
	[dreg:$0x0] =	wrdreg $0x0  }
0x20: {  	s5 =	sshll.u32 s28, $0x1;
	[dreg:$0x2] =	wrdreg s3  }
0x21: {  	[dreg:$0x3] =	wrdreg s5  }
0x22: {  	[dreg:$0x4] =	wrdreg $0xC0  }
0x23: {  	_ =	task [dreg:s7], $0x5FFFF  }
0x24: {  	[dreg:$0x1] =	wrdreg $0xFFFFFFFF  }
0x25: {  	[dreg:$0x0] =	wrdreg $0x60  }
0x26: {  	[dreg:$0x2] =	wrdreg s25  }
0x27: {  	[dreg:$0x3] =	wrdreg s2  }
0x28: {  	[dreg:$0x4] =	wrdreg $0x9  }
0x29: {  	_ =	task.clear_ibuf [dreg:s7], $0x5FFFF;
	_ =	strace $0x90000049  }
0x2a: {  	s29 =	simm.s32 $0x9;
	_ =	strace $0x8000004B  }
0x2b: {  	_ =	swait.ge [sflag:s29], $0x1  }
0x2c: {  	[sflag:s29] =	ssyncadd.s32 $0xFFFFFFFF  }
0x2d: {  	_ =	strace $0x9000004B  }
0x2e: {  	_ =	sfence  }
0x2f: {  	s30 =	sld [smem:$0x0];
	_ =	sdelay $0x2  }
0x30: {  	s31 =	sshll.u32 s1, $0xD;
	s1 =	sshrl.u32 s1, $0x2  }
0x31: {  	s3 =	sand.u32 $0x4000, s31;
	s1 =	sadd.s32 s1, s30  }
0x32: {  	s0 =	sor.u32 s3, s0;
	s1 =	sshll.u32 s1, $0x11  }
0x33: {  	s0 =	sor.u32 s1, s0  }
0x34: {  	s0 =	sadd.s32 $0x8F2B, s0  }
0x35: {  	[sflag:s0] =	ssyncadd.remote.s32 $0x1  }
0x36: {  	_ =	sfence.sel $0xFFFF  }
0x37: {  	[dreg:$0x0] =	wrdreg $0xFFFFFFFF;
	(pc) =	sbr.abs _section_cstart, $3  }
0x38: {  	[dreg:$0x1] =	wrdreg $0xFFFFFFFF  }
0x39: {  	_ =	task.clear_ibuf [dreg:s7], $0x2FFFF;
	_ =	strace $0x9FFFFFFF  }
0x3a: {  	(tm) =	ssettm $0x7FFFFFFF  }
0x3b: {  	_ =	shalt  }
tec
execute0_lowered:
.L_overlay_start_1:
0x0: {  	(tag) =	ssettag $0x1  }
0x1: {  	s0 =	srdreg.scid  }
0x2: {  	s1 =	sshll.u32 s0, $0x4  }
0x3: {  	s0 =	stileid.u32;
	s1 =	sand.u32 $0x10, s1  }
0x4: {  	s1 =	sor.u32 s0, s1  }
0x5: {  	s6 =	rddreg [dreg:$0x0];
	s4 =	simm.s32 $0x1;
	s2 =	sshll.u32 s1, $0x7  }
0x6: {  	s7 =	simm.s32 $0x2;
	s12 =	simm.s32 $0x0;
	s1 =	ssub.s32 $0x1000, s2  }
0x7: {  	s8 =	simm.s32 $0x8000;
	s13 =	simm.s32 $0x0;
	s3 =	sand.u32 $0xF80, s1  }
0x8: {  	s9 =	simm.s32 $0x0;
	s5 =	sshrl.u32 s1, $0xC;
	p0 =	sne.s32 s3, $0x0  }
.Ltmp0:
0x9: {  	s1 =	rddreg [dreg:$0x2];
	s4 =	simm.s32 @!p0 $0x0;
	(pc) =	sbr.rel .LBB1_1-.Ltmp0, $4  }
0xa: {  	s11 =	simm.s32 $0x0;
	s3 =	rddreg [dreg:$0x1];
	s5 =	sadd.s32 s4, s5  }
0xb: {  	_ =	strace $0x8000004A;
	s4 =	simm.s32 $0x1;
	s5 =	smul.u32 $0xC8, s5  }
0xc: {  	s6 =	sadd.s32 $0x800, s6;
	s10 =	smov.u32 s2;
	[sflag:s4] =	ssyncpa.u1 $0x0  }
0xd: {  	p0 =	por $0x0, $0x0;
	[sflag:s7] =	ssyncpa.u1 $0x0;
	s7 =	sor.u32 $0x1, s5  }
.LBB1_4:
0xe: {  	s16 =	sshll.u32 s13, $0x3;
	s17 =	sand.u32 $0x78, s13  }
0xf: {  	s30 =	sand.u32 $0x3E00, s13;
	s12 =	sshll.u32 s12, $0xE;
	s16 =	sand.u32 $0xC00, s16  }
0x10: {  	s31 =	sand.u32 $0x7, s13;
	s16 =	sor.u32 s17, s16;
	s17 =	sadd.s32 s3, s30  }
0x11: {  	s13 =	sshll.u32 s31, $0x12;
	s16 =	sshrl.u32 s16, $0x3;
	s12 =	sadd.s32 s12, s17  }
0x12: {  	[tilespmem:s15+$0x0 ss:$0x81] =	vst.msk $0xffff, v0;
	s13 =	sor.u32 $0x400, s13;
	s12 =	sadd.s32 s16, s12  }
0x13: {  	[hbm4b:s12+s13] =	stream.strided.scatter [tilespmem:s14], [sflag:$0x2], $0x1000, s8, s13, $0x20;
	[tilespmem:$0x4040] =	vst v63  }
.LBB1_5:
0x14: {  	s14 =	sadd.s32 $0x1, s9  }
0x15: {  	s12 =	sadd.s32 $0x1000, s10;
	s16 =	smov.u32 s10;
	p2 =	sgt.s32 s14, $0xC7  }
0x16: {  	s16 =	smov.u32 @p2 s12  }
0x17: {  	s14 =	simm.s32 @p2 $0x0;
	p2 =	sgt.s32 s16, $0xFFF  }
0x18: {  	s16 =	smov.u32 @p2 s2;
	p2 =	sne.s32 s11, s7  }
.Ltmp1:
0x19: {  	p1 =	slt.u32 s11, $0x2;
	(pc) =	sbr.rel @!p2 .LBB1_6-.Ltmp1, $4  }
0x1a: {  	s15 =	simm.s32 @!p1 $0x2  }
0x1b: {  	s13 =	smov.u32 s10;
	p0 =	por !p0, !p0;
	_ =	swait.ge @!p1 [sflag:s15], $0x1000  }
0x1c: {  	s12 =	smov.u32 s9;
	[sflag:s15] =	ssyncset.done @!p1 $0x0;
	s9 =	smov.u32 s14  }
0x1d: {  	s11 =	sadd.s32 $0x1, s11;
	[sflag:s15] =	ssyncadd.s32 @!p1 $0xFFFFF000;
	s10 =	smov.u32 s16  }
.LBB1_1:
0x1e: {  	p1 =	sge.u32 s11, s5  }
0x1f: {  	s14 =	sand.u32 @!p1 $0x1FFFFFF, s9  }
0x20: {  	s15 =	smulhi.u32 @!p1 $0x147AE15, s14;
	_ =	sdelay $0x1  }
0x21: {  	s15 =	smul.u32 @!p1 $0xC8, s15  }
0x22: {  	s16 =	sxor.u32 @!p1 $0xFFFFFFFF, s11;
	s17 =	smul.u32 @!p1 $0xC80, s10  }
0x23: {  	s31 =	sadd.s32 $0xFFFFFFFF, s11;
	s16 =	sshll.u32 @!p1 s16, $0xC;
	s14 =	ssub.s32 @!p1 s14, s15  }
0x24: {  	s15 =	sand.u32 @!p1 $0x1000, s16;
	s16 =	sadd.s32 @!p1 s6, s17;
	s14 =	sshll.u32 @!p1 s14, $0x4  }
0x25: {  	s17 =	simm.s32 @!p1 $0x6400;
	s14 =	sadd.s32 @!p1 s14, s16;
	s16 =	simm.s32 @!p1 $0x20  }
0x26: {  	[tilespmem:s15], [sflag:$0x1] =	stream.strided.gather @!p1 [hbm4b:s14+s16], $0x1000, s17, s16, $0x38;
	[tilespmem:$0x4040] =	vst v63  }
0x27: {  	p1 =	sge.u32 s31, s5  }
.Ltmp2:
0x28: {  	_ = 	snop;
	(pc) =	sbr.rel @p1 .LBB1_5-.Ltmp2, $1  }
0x29: {  	_ =	sdelay $0x3  }
0x2a: {  	s14 =	simm.s32 $0x1  }
0x2b: {  	_ =	swait.ge [sflag:s4], $0x1000;
	s14 =	simm.s32 @!p0 $0x0  }
0x2c: {  	[sflag:s4] =	ssyncset.done $0x0;
	s15 =	sshll.u32 s14, $0xC  }
0x2d: {  	[sflag:s4] =	ssyncadd.s32 $0xFFFFF000;
	s18 =	sor.u32 $0x10, s15  }
0x2e: {  	s14 =	smul.u32 $0x4080, s14;
	v1 =	vld [tilespmem:s18+$0x0]  }
0x2f: {  	s30 =	sand.u32 $0x1, s11;
	v0 =	vld [tilespmem:s18+$0xFFFFFFF0]  }
0x30: {  	s15 =	smul.u32 $0x4080, s30;
	s14 =	sshrl.u32 s14, $0x2  }
0x31: {  	s16 =	sor.u32 $0x2000, s14  }
0x32: {  	s31 =	sshrl.u32 s15, $0x2;
	s15 =	sadd.s32 $0x0, s16  }
0x33: {  	s17 =	simm.s32 $0x4;
	s18 =	sadd.s32 $0x20, s18;
	s14 =	sor.u32 $0x2000, s31;
	[tilespmem:s15+$0x810 ss:$0x81] =	vst.msk $0xffff, v1  }
.LBB1_3:
0x34: {  	v1 =	vld [tilespmem:s18+$0x0];
	p1 =	sne.s32 s17, $0x1FC;
	[tilespmem:s15+$0x0 ss:$0x81] =	vst.msk $0xffff, v0;
	s15 =	smov.u32 s17;
	s17 =	sadd.s32 $0x4, s17  }
.Ltmp3:
0x35: {  	v0 =	vld [tilespmem:s18+$0xFFFFFFF0];
	(pc) =	sbr.rel @p1 .LBB1_3-.Ltmp3, $4  }
0x36: {  	_ = 	snop  }
0x37: {  	s15 =	sshra.s32 s15, $0x2  }
0x38: {  	s15 =	sadd.s32 s15, s16  }
0x39: {  	s18 =	sadd.s32 $0x20, s18;
	[tilespmem:s15+$0x810 ss:$0x81] =	vst.msk $0xffff, v1  }
.Ltmp4:
0x3a: {  	_ = 	snop;
	(pc) =	sbr.rel .LBB1_4-.Ltmp4, $1  }
0x3b: {  	_ =	sdelay $0x3  }
.LBB1_6:
0x3c: {  	_ =	sfence.sel $0x180000  }
0x3d: {  	s2 =	simm.s32 $0x1;
	[bflag:$0x0] =	sbarrier.arrive $0xFFFF  }
0x3e: {  	s31 =	simm.s32 $0x2;
	[sflag:s2] =	ssyncpa.u1 $0x1  }
0x3f: {  	[sflag:s31] =	ssyncpa.u1 $0x1  }
0x40: {  	p0 =	sne.s32 s0, $0x0;
	_ =	strace $0x9000004A  }
0x41: {  	s0 =	sadd.s32 @!p0 $0x100000, s1;
	[bflag:$0x2] =	sbarrier.arrive $0xFFFF  }
0x42: {  	[sflag:s0] =	ssyncadd.tile.s32 @!p0 $0x1;
	_ =	shalt  }
.Lfunc_end1:
_tile_overlayer_lowered:
.L_overlay_start_2:
0x43: {  	(tag) =	ssettag $0x2  }
0x44: {  	s0 =	rddreg [dreg:$0x0];
	s2 =	stileid.u32  }
0x45: {  	s1 =	rddreg [dreg:$0x1];
	p0 =	sne.s32 s2, $0x0  }
0x46: {  	s3 =	rddreg [dreg:$0x2];
	[bflag:$0x3] =	sbarrier.arrive $0xFFFF;
	s2 =	simm.s32 @!p0 $0x1C01  }
0x47: {  	[timem:s3], [sflag:s2] =	dma.local @!p0 [hbm:s0], s1  }
0x48: {  	s0 =	simm.s32 @!p0 $0x1  }
0x49: {  	_ =	swait.ge @!p0 [sflag:s0], s1  }
0x4a: {  	s1 =	ssub.s32 @!p0 $0x0, s1;
	[sflag:s0] =	ssyncset.done @!p0 $0x0  }
0x4b: {  	[sflag:s0] =	ssyncadd.s32 @!p0 s1  }
0x4c: {  	[bflag:$0x3] =	sbarrier.arrive $0xFFFF  }
0x4d: {  	_ =	shalt  }

</sc_bundles>
